<compile_context>
chip_gen: v7x
topology: tpu7x:2x2x1
jax: 0.10.2.dev20260603
libtpu: 0.0.44.dev20260713+nightly
codegen_flags: <defaults>
</compile_context>

<pallas_src>
import functools

import jax
import jax.numpy as jnp
from jax import lax
from jax.experimental import pallas as pl
from jax.experimental.pallas import tpu as pltpu
from jax.experimental.pallas import tpu_sc as plsc

N_NODES = 10000
N_EDGES = 320000
D = 128

NC = 2
NS = 16
NW = NC * NS
EPW = N_EDGES // NW
C = 80
NCH = EPW // C
NPAIR = (NCH - 1) // 2

DEGP = 10240
DPW = DEGP // NS
ZROWS = 80
NZCH = N_NODES // ZROWS


def _fill_f32(ref, n, value):
    v = jnp.full((16,), value, jnp.float32)

    def body(i, carry):
        ref[pl.ds(i * 16, 16)] = v
        return carry

    lax.fori_loop(0, n // 16, body, 0)


def _fill2d_f32(ref, rows, cols, value):
    v = jnp.full((16,), value, jnp.float32)

    def body(i, carry):
        def inner(k, carry2):
            ref[i, pl.ds(k * 16, 16)] = v
            return carry2

        return lax.fori_loop(0, cols // 16, inner, carry)

    lax.fori_loop(0, rows, body, 0)


def _sc_body(x_hbm, src_hbm, dst_hbm, s_out, deg_out,
             s_sh, deg_sh, src_v, dst_v, rows0_v, rows1_v, ones_v, zdeg_v,
             gsem0, gsem1, gsem0b, gsem1b, ssem0, ssem1, dsem, isem0, isem1):
    c = lax.axis_index("c")
    s = lax.axis_index("s")
    wid = s * NC + c

    H = C // 2

    def gather(j, buf, sema, semb):
        pltpu.async_copy(x_hbm.at[src_v.at[pl.ds(j * C, H)]],
                         buf.at[pl.ds(0, H)], sema)
        pltpu.async_copy(x_hbm.at[src_v.at[pl.ds(j * C + H, H)]],
                         buf.at[pl.ds(H, H)], semb)

    def gwait(buf, sema, semb):
        pltpu.make_async_copy(x_hbm.at[src_v.at[pl.ds(0, H)]],
                              buf.at[pl.ds(0, H)], sema).wait()
        pltpu.make_async_copy(x_hbm.at[src_v.at[pl.ds(0, H)]],
                              buf.at[pl.ds(H, H)], semb).wait()

    pltpu.async_copy(src_hbm.at[wid], src_v, isem0)
    pltpu.async_copy(dst_hbm.at[wid], dst_v, isem1)

    _fill2d_f32(rows1_v, ZROWS, D, 0.0)
    _fill_f32(zdeg_v, DPW, 0.0)
    _fill_f32(ones_v, C, 1.0)

    pltpu.make_async_copy(src_hbm.at[wid], src_v, isem0).wait()
    gather(0, rows0_v, gsem0, gsem0b)

    for k in range((NZCH + NS - 1) // NS):
        ch = s + NS * k

        @pl.when(ch < NZCH)
        def _():
            pltpu.sync_copy(rows1_v.at[pl.ds(0, ZROWS)],
                            s_sh.at[pl.ds(ch * ZROWS, ZROWS)])

    pltpu.sync_copy(zdeg_v, deg_sh.at[pl.ds(s * DPW, DPW)])

    pltpu.make_async_copy(dst_hbm.at[wid], dst_v, isem1).wait()

    plsc.subcore_barrier()

    gwait(rows0_v, gsem0, gsem0b)
    pltpu.async_copy(rows0_v, s_sh.at[dst_v.at[0]], ssem0, add=True)
    pltpu.async_copy(ones_v, deg_sh.at[dst_v.at[0]], dsem, add=True)
    gather(1, rows1_v, gsem1, gsem1b)

    def pair(k, carry):
        j0 = 2 * k + 1
        j1 = j0 + 1

        pltpu.make_async_copy(rows0_v, s_sh.at[dst_v.at[0]], ssem0).wait()
        gather(j1, rows0_v, gsem0, gsem0b)

        gwait(rows1_v, gsem1, gsem1b)
        pltpu.async_copy(rows1_v, s_sh.at[dst_v.at[j0]], ssem1, add=True)
        pltpu.async_copy(ones_v, deg_sh.at[dst_v.at[j0]], dsem, add=True)

        pltpu.make_async_copy(rows1_v, s_sh.at[dst_v.at[0]], ssem1).wait()

        @pl.when(k + 1 < NPAIR)
        def _():
            gather(j1 + 1, rows1_v, gsem1, gsem1b)

        gwait(rows0_v, gsem0, gsem0b)
        pltpu.async_copy(rows0_v, s_sh.at[dst_v.at[j1]], ssem0, add=True)
        pltpu.async_copy(ones_v, deg_sh.at[dst_v.at[j1]], dsem, add=True)
        return carry

    lax.fori_loop(0, NPAIR, pair, 0)

    pltpu.make_async_copy(rows0_v, s_sh.at[dst_v.at[0]], ssem0).wait()

    def drain(j, carry):
        pltpu.make_async_copy(ones_v, deg_sh.at[dst_v.at[0]], dsem).wait()
        return carry

    lax.fori_loop(0, NCH, drain, 0)

    plsc.subcore_barrier()

    for k in range((NZCH + NS - 1) // NS):
        ch = s + NS * k

        @pl.when(ch < NZCH)
        def _():
            pltpu.async_copy(s_sh.at[pl.ds(ch * ZROWS, ZROWS)],
                             s_out.at[pl.ds(c * N_NODES + ch * ZROWS, ZROWS)],
                             gsem0)

    pltpu.async_copy(deg_sh.at[pl.ds(s * DPW, DPW)],
                     deg_out.at[pl.ds(c * DEGP + s * DPW, DPW)], gsem1)

    for k in range((NZCH + NS - 1) // NS):
        ch = s + NS * k

        @pl.when(ch < NZCH)
        def _():
            pltpu.make_async_copy(
                s_sh.at[pl.ds(ch * ZROWS, ZROWS)],
                s_out.at[pl.ds(c * N_NODES + ch * ZROWS, ZROWS)],
                gsem0).wait()

    pltpu.make_async_copy(deg_sh.at[pl.ds(s * DPW, DPW)],
                          deg_out.at[pl.ds(c * DEGP + s * DPW, DPW)],
                          gsem1).wait()


_sc_scatter = functools.partial(
    pl.kernel,
    out_type=[
        jax.ShapeDtypeStruct((NC * N_NODES, D), jnp.float32),
        jax.ShapeDtypeStruct((NC * DEGP,), jnp.float32),
    ],
    mesh=plsc.VectorSubcoreMesh(core_axis_name="c", subcore_axis_name="s"),
    scratch_types=[
        pltpu.VMEM_SHARED((N_NODES, D), jnp.float32),
        pltpu.VMEM_SHARED((DEGP,), jnp.float32),
        pltpu.VMEM((EPW,), jnp.int32),
        pltpu.VMEM((NCH, C), jnp.int32),
        pltpu.VMEM((C, D), jnp.float32),
        pltpu.VMEM((C, D), jnp.float32),
        pltpu.VMEM((C,), jnp.float32),
        pltpu.VMEM((DPW,), jnp.float32),
        pltpu.SemaphoreType.DMA,
        pltpu.SemaphoreType.DMA,
        pltpu.SemaphoreType.DMA,
        pltpu.SemaphoreType.DMA,
        pltpu.SemaphoreType.DMA,
        pltpu.SemaphoreType.DMA,
        pltpu.SemaphoreType.DMA,
        pltpu.SemaphoreType.DMA,
        pltpu.SemaphoreType.DMA,
    ],
)(_sc_body)


ROWS_B = 2000

_row_blk = pl.BlockSpec((ROWS_B, D), lambda i: (i, 0))
_deg_blk = pl.BlockSpec((ROWS_B, 1), lambda i: (i, 0))
_w_blk = pl.BlockSpec((D, D), lambda i: (0, 0))
_b_blk = pl.BlockSpec((1, D), lambda i: (0, 0))


def _tc_body(x_ref, s0_ref, s1_ref, d0_ref, d1_ref,
             wms_ref, wmd_ref, bm_ref, wux_ref, wum_ref, bu_ref, out_ref):
    x = x_ref[...]
    s = s0_ref[...] + s1_ref[...]
    deg = d0_ref[...] + d1_ref[...]
    m = jnp.dot(s, wms_ref[...], preferred_element_type=jnp.float32)
    m += jnp.dot(x * deg, wmd_ref[...], preferred_element_type=jnp.float32)
    m += deg * bm_ref[...]
    out = jnp.dot(x, wux_ref[...], preferred_element_type=jnp.float32)
    out += jnp.dot(m, wum_ref[...], preferred_element_type=jnp.float32)
    out_ref[...] = out + bu_ref[...]


_tc_fused = pl.pallas_call(
    _tc_body,
    grid=(N_NODES // ROWS_B,),
    in_specs=[
        _row_blk,
        _row_blk,
        pl.BlockSpec((ROWS_B, D), lambda i: (i + N_NODES // ROWS_B, 0)),
        _deg_blk, _deg_blk,
        _w_blk, _w_blk, _b_blk,
        _w_blk, _w_blk, _b_blk,
    ],
    out_specs=_row_blk,
    out_shape=jax.ShapeDtypeStruct((N_NODES, D), jnp.float32),
)


def kernel(atom_features, edge_indices, W_msg, b_msg, W_upd, b_upd):
    ei = edge_indices.astype(jnp.int32)
    src = ei[0].reshape(NW, EPW)
    dst = ei[1].reshape(NW, NCH, C)

    s_part, deg_part = _sc_scatter(atom_features, src, dst)

    d0 = deg_part[0:N_NODES].reshape(N_NODES, 1)
    d1 = deg_part[DEGP:DEGP + N_NODES].reshape(N_NODES, 1)

    return _tc_fused(
        atom_features, s_part, s_part, d0, d1,
        W_msg[:D], W_msg[D:], b_msg.reshape(1, D),
        W_upd[:D], W_upd[D:], b_upd.reshape(1, D),
    )

# --- scband reference (transcript-rebuilt; emitter-appended) ---
"""Pipeline reference for scband-graph-convolution-layer-9105330668111 (READ-ONLY COPY).

The authoritative reference and input builder live on the scoring server;
editing this copy changes nothing except your own understanding.
"""

import jax, jax.numpy as jnp
import numpy as np

N_NODES = 10000
N_EDGES = 320000
D_IN = 128
D_OUT = 128

def setup_inputs(seed: int = 0) -> dict:
    key = jax.random.key(seed)
    k1, k2, k3, k4, k5, k6 = jax.random.split(key, 6)
    atom_features = jax.random.normal(k1, (N_NODES, D_IN), dtype=jnp.float32)
    edge_indices = jax.random.randint(k2, (2, N_EDGES), 0, N_NODES)
    # message_net: Linear(in_features*2, out_features) -> W: [2*D_IN, D_OUT], b: [D_OUT]
    lim_msg = 1.0 / np.sqrt(2 * D_IN)
    W_msg = jax.random.uniform(k3, (2 * D_IN, D_OUT), minval=-lim_msg, maxval=lim_msg, dtype=jnp.float32)
    b_msg = jax.random.uniform(k4, (D_OUT,), minval=-lim_msg, maxval=lim_msg, dtype=jnp.float32)
    # update_net: Linear(in_features + out_features, out_features) -> W: [D_IN+D_OUT, D_OUT], b: [D_OUT]
    lim_upd = 1.0 / np.sqrt(D_IN + D_OUT)
    W_upd = jax.random.uniform(k5, (D_IN + D_OUT, D_OUT), minval=-lim_upd, maxval=lim_upd, dtype=jnp.float32)
    b_upd = jax.random.uniform(k6, (D_OUT,), minval=-lim_upd, maxval=lim_upd, dtype=jnp.float32)
    return {"atom_features": atom_features, "edge_indices": edge_indices,
            "W_msg": W_msg, "b_msg": b_msg, "W_upd": W_upd, "b_upd": b_upd}

def reference(atom_features, edge_indices, W_msg, b_msg, W_upd, b_upd):
    # Vectorized faithful translation of the per-edge / per-node python loops.
    src = edge_indices[0]
    dst = edge_indices[1]
    src_feat = jnp.take(atom_features, src, axis=0)   # gather [E, D_IN]
    dst_feat = jnp.take(atom_features, dst, axis=0)   # gather [E, D_IN]
    edge_input = jnp.concatenate([src_feat, dst_feat], axis=1)  # [E, 2*D_IN]
    message = edge_input @ W_msg + b_msg               # [E, D_OUT]
    messages = jnp.zeros((atom_features.shape[0], W_msg.shape[1]), dtype=atom_features.dtype)
    messages = messages.at[dst].add(message)           # scatter-add by dst
    update_input = jnp.concatenate([atom_features, messages], axis=1)  # [N, D_IN+D_OUT]
    updated_features = update_input @ W_upd + b_upd    # [N, D_OUT]
    return updated_features

if __name__ == "__main__":
    import jax
    _d = setup_inputs()
    print(jax.jit(kernel)(*tuple(_d.values())))

</pallas_src>

<mosaic_0001>
#map = affine_map<(d0, d1) -> (0, 0)>
#map1 = affine_map<(d0, d1) -> (0, 0, 0)>
#map2 = affine_map<(d0, d1) -> (0)>
module attributes {stable_mosaic.version = 14 : i64} {
  func.func @_sc_body(%arg0: i32, %arg1: i32, %arg2: memref<10000x128xf32, #tpu.memory_space<hbm>>, %arg3: memref<32x10000xi32, #tpu.memory_space<hbm>>, %arg4: memref<32x125x80xi32, #tpu.memory_space<hbm>>, %arg5: memref<20000x128xf32, #tpu.memory_space<hbm>>, %arg6: memref<20480xf32, #tpu.memory_space<hbm>>, %arg7: memref<10000x128xf32, #tpu.memory_space<vmem_shared>>, %arg8: memref<10240xf32, #tpu.memory_space<vmem_shared>>, %arg9: memref<10000xi32, #tpu.memory_space<vmem>>, %arg10: memref<125x80xi32, #tpu.memory_space<vmem>>, %arg11: memref<80x128xf32, #tpu.memory_space<vmem>>, %arg12: memref<80x128xf32, #tpu.memory_space<vmem>>, %arg13: memref<80xf32, #tpu.memory_space<vmem>>, %arg14: memref<640xf32, #tpu.memory_space<vmem>>, %arg15: memref<!tpu.dma_semaphore, #tpu.memory_space<semaphore_mem>>, %arg16: memref<!tpu.dma_semaphore, #tpu.memory_space<semaphore_mem>>, %arg17: memref<!tpu.dma_semaphore, #tpu.memory_space<semaphore_mem>>, %arg18: memref<!tpu.dma_semaphore, #tpu.memory_space<semaphore_mem>>, %arg19: memref<!tpu.dma_semaphore, #tpu.memory_space<semaphore_mem>>, %arg20: memref<!tpu.dma_semaphore, #tpu.memory_space<semaphore_mem>>, %arg21: memref<!tpu.dma_semaphore, #tpu.memory_space<semaphore_mem>>, %arg22: memref<!tpu.dma_semaphore, #tpu.memory_space<semaphore_mem>>, %arg23: memref<!tpu.dma_semaphore, #tpu.memory_space<semaphore_mem>>) attributes {dimension_semantics = [#tpu.dimension_semantics<core_parallel>, #tpu.dimension_semantics<subcore_parallel>], iteration_bounds = array<i64: 2, 16>, scalar_prefetch = 0 : i64, scratch_operands = 17 : i64, tpu.core_type = #tpu.core_type<sc_vector_subcore>, window_params = [{transform_indices = #map}, {transform_indices = #map}, {transform_indices = #map1}, {transform_indices = #map}, {transform_indices = #map2}]} {
    %mul3A = arith.constant 2 : i32
    %mul3A_0 = arith.muli %arg1, %mul3A : i32
    %add3A = arith.addi %mul3A_0, %arg0 : i32
    %dma_start3A = arith.constant 0 : i32
    %dma_start3A_1 = tpu.memref_slice %arg3[%add3A, %dma_start3A] : memref<32x10000xi32, #tpu.memory_space<hbm>> -> memref<1x10000xi32, #tpu.memory_space<hbm>>
    %dma_start3A_2 = tpu.memref_squeeze %dma_start3A_1 : memref<1x10000xi32, #tpu.memory_space<hbm>> -> memref<10000xi32, #tpu.memory_space<hbm>>
    %dma_start3A_3 = arith.constant 0 : i32
    %dma_start3A_4 = tpu.memref_slice %arg3[%add3A, %dma_start3A_3] : memref<32x10000xi32, #tpu.memory_space<hbm>> -> memref<1x10000xi32, #tpu.memory_space<hbm>>
    %dma_start3A_5 = tpu.memref_squeeze %dma_start3A_4 : memref<1x10000xi32, #tpu.memory_space<hbm>> -> memref<10000xi32, #tpu.memory_space<hbm>>
    tpu.enqueue_dma source(%dma_start3A_5 : memref<10000xi32, #tpu.memory_space<hbm>>) target(%arg9 : memref<10000xi32, #tpu.memory_space<vmem>>) target_semaphore(%arg22 : memref<!tpu.dma_semaphore, #tpu.memory_space<semaphore_mem>>)
    %dma_start3A_6 = arith.constant 0 : i32
    %dma_start3A_7 = arith.constant 0 : i32
    %dma_start3A_8 = tpu.memref_slice %arg4[%add3A, %dma_start3A_6, %dma_start3A_7] : memref<32x125x80xi32, #tpu.memory_space<hbm>> -> memref<1x125x80xi32, #tpu.memory_space<hbm>>
    %dma_start3A_9 = tpu.memref_squeeze %dma_start3A_8 : memref<1x125x80xi32, #tpu.memory_space<hbm>> -> memref<125x80xi32, #tpu.memory_space<hbm>>
    %dma_start3A_10 = arith.constant 0 : i32
    %dma_start3A_11 = arith.constant 0 : i32
    %dma_start3A_12 = tpu.memref_slice %arg4[%add3A, %dma_start3A_10, %dma_start3A_11] : memref<32x125x80xi32, #tpu.memory_space<hbm>> -> memref<1x125x80xi32, #tpu.memory_space<hbm>>
    %dma_start3A_13 = tpu.memref_squeeze %dma_start3A_12 : memref<1x125x80xi32, #tpu.memory_space<hbm>> -> memref<125x80xi32, #tpu.memory_space<hbm>>
    tpu.enqueue_dma source(%dma_start3A_13 : memref<125x80xi32, #tpu.memory_space<hbm>>) target(%arg10 : memref<125x80xi32, #tpu.memory_space<vmem>>) target_semaphore(%arg23 : memref<!tpu.dma_semaphore, #tpu.memory_space<semaphore_mem>>)
    %broadcast_in_dim3A = arith.constant 0.000000e+00 : f32
    %broadcast_in_dim3A_14 = vector.broadcast %broadcast_in_dim3A : f32 to vector<16xf32>
    %scan3A = arith.constant 0 : i32
    %scan3A_15 = arith.constant 0 : i32
    %scan3A_16 = arith.constant 80 : i32
    %scan3A_17 = arith.addi %scan3A_15, %scan3A_16 : i32
    %scan3A_18 = arith.constant 1 : i32
    scf.for %scan3A_315 = %scan3A_15 to %scan3A_17 step %scan3A_18  : i32 {
      %scan3A_316 = arith.constant 0 : i32
      %scan3A_317 = arith.constant 8 : i32
      %scan3A_318 = arith.addi %scan3A_316, %scan3A_317 : i32
      %scan3A_319 = arith.constant 1 : i32
      scf.for %scan3A_321 = %scan3A_316 to %scan3A_318 step %scan3A_319  : i32 {
        %mul3A_322 = arith.constant 16 : i32
        %mul3A_323 = arith.muli %scan3A_321, %mul3A_322 : i32
        %swap3A = arith.index_cast %scan3A_315 : i32 to index
        %swap3A_324 = arith.index_cast %mul3A_323 : i32 to index
        %swap3A_325 = tpu.vector_load %arg12[%swap3A, %swap3A_324] {strides = array<i32>} : memref<80x128xf32, #tpu.memory_space<vmem>>, vector<1x16xf32>,
        %swap3A_326 = vector.shape_cast %swap3A_325 : vector<1x16xf32> to vector<16xf32>
        %swap3A_327 = vector.shape_cast %broadcast_in_dim3A_14 : vector<16xf32> to vector<1x16xf32>
        tpu.vector_store %arg12[%swap3A, %swap3A_324], %swap3A_327 {strides = array<i32>} : memref<80x128xf32, #tpu.memory_space<vmem>>, vector<1x16xf32>,
      }
      %scan3A_320 = arith.constant 8 : i32
    }
    %scan3A_19 = arith.constant 80 : i32
    %broadcast_in_dim3A_20 = arith.constant 0.000000e+00 : f32
    %broadcast_in_dim3A_21 = vector.broadcast %broadcast_in_dim3A_20 : f32 to vector<16xf32>
    %scan3A_22 = arith.constant 0 : i32
    %scan3A_23 = arith.constant 0 : i32
    %scan3A_24 = arith.constant 40 : i32
    %scan3A_25 = arith.addi %scan3A_23, %scan3A_24 : i32
    %scan3A_26 = arith.constant 1 : i32
    scf.for %scan3A_315 = %scan3A_23 to %scan3A_25 step %scan3A_26  : i32 {
      %mul3A_316 = arith.constant 16 : i32
      %mul3A_317 = arith.muli %scan3A_315, %mul3A_316 : i32
      %swap3A = arith.index_cast %mul3A_317 : i32 to index
      %swap3A_318 = tpu.vector_load %arg14[%swap3A] {strides = array<i32>} : memref<640xf32, #tpu.memory_space<vmem>>, vector<16xf32>,
      %swap3A_319 = vector.shape_cast %swap3A_318 : vector<16xf32> to vector<16xf32>
      %swap3A_320 = vector.shape_cast %broadcast_in_dim3A_21 : vector<16xf32> to vector<16xf32>
      tpu.vector_store %arg14[%swap3A], %swap3A_320 {strides = array<i32>} : memref<640xf32, #tpu.memory_space<vmem>>, vector<16xf32>,
    }
    %scan3A_27 = arith.constant 40 : i32
    %broadcast_in_dim3A_28 = arith.constant 1.000000e+00 : f32
    %broadcast_in_dim3A_29 = vector.broadcast %broadcast_in_dim3A_28 : f32 to vector<16xf32>
    %scan3A_30 = arith.constant 0 : i32
    %scan3A_31 = arith.constant 0 : i32
    %scan3A_32 = arith.constant 5 : i32
    %scan3A_33 = arith.addi %scan3A_31, %scan3A_32 : i32
    %scan3A_34 = arith.constant 1 : i32
    scf.for %scan3A_315 = %scan3A_31 to %scan3A_33 step %scan3A_34  : i32 {
      %mul3A_316 = arith.constant 16 : i32
      %mul3A_317 = arith.muli %scan3A_315, %mul3A_316 : i32
      %swap3A = arith.index_cast %mul3A_317 : i32 to index
      %swap3A_318 = tpu.vector_load %arg13[%swap3A] {strides = array<i32>} : memref<80xf32, #tpu.memory_space<vmem>>, vector<16xf32>,
      %swap3A_319 = vector.shape_cast %swap3A_318 : vector<16xf32> to vector<16xf32>
      %swap3A_320 = vector.shape_cast %broadcast_in_dim3A_29 : vector<16xf32> to vector<16xf32>
      tpu.vector_store %arg13[%swap3A], %swap3A_320 {strides = array<i32>} : memref<80xf32, #tpu.memory_space<vmem>>, vector<16xf32>,
    }
    %scan3A_35 = arith.constant 5 : i32
    %dma_wait3A = arith.constant 0 : i32
    %dma_wait3A_36 = tpu.memref_slice %arg3[%add3A, %dma_wait3A] : memref<32x10000xi32, #tpu.memory_space<hbm>> -> memref<1x10000xi32, #tpu.memory_space<hbm>>
    %dma_wait3A_37 = tpu.memref_squeeze %dma_wait3A_36 : memref<1x10000xi32, #tpu.memory_space<hbm>> -> memref<10000xi32, #tpu.memory_space<hbm>>
    %dma_wait3A_38 = arith.constant 0 : i32
    %dma_wait3A_39 = tpu.memref_slice %arg3[%add3A, %dma_wait3A_38] : memref<32x10000xi32, #tpu.memory_space<hbm>> -> memref<1x10000xi32, #tpu.memory_space<hbm>>
    %dma_wait3A_40 = tpu.memref_squeeze %dma_wait3A_39 : memref<1x10000xi32, #tpu.memory_space<hbm>> -> memref<10000xi32, #tpu.memory_space<hbm>>
    tpu.wait_dma2 semaphore(%arg22 : memref<!tpu.dma_semaphore, #tpu.memory_space<semaphore_mem>>) src(%dma_wait3A_40 : memref<10000xi32, #tpu.memory_space<hbm>>) dst(%arg9 : memref<10000xi32, #tpu.memory_space<vmem>>)
    %dma_start3A_41 = arith.constant 0 : i32
    %dma_start3A_42 = arith.constant 0 : i32
    %dma_start3A_43 = tpu.memref_slice %arg11[%dma_start3A_41, %dma_start3A_42] : memref<80x128xf32, #tpu.memory_space<vmem>> -> memref<40x128xf32, #tpu.memory_space<vmem>>
    %dma_start3A_44 = arith.constant 0 : i32
    %dma_start3A_45 = tpu.memref_slice %arg9[%dma_start3A_44] : memref<10000xi32, #tpu.memory_space<vmem>> -> memref<40xi32, #tpu.memory_space<vmem>>
    %dma_start3A_46 = arith.constant 0 : i32
    %dma_start3A_47 = arith.constant 0 : i32
    %dma_start3A_48 = tpu.memref_slice %arg2[%dma_start3A_46, %dma_start3A_47] : memref<10000x128xf32, #tpu.memory_space<hbm>> -> memref<10000x128xf32, #tpu.memory_space<hbm>>
    tpu.enqueue_indirect_dma source(%dma_start3A_48 : memref<10000x128xf32, #tpu.memory_space<hbm>>) target(%dma_start3A_43 : memref<40x128xf32, #tpu.memory_space<vmem>>) offsets(%dma_start3A_45 : memref<40xi32, #tpu.memory_space<vmem>>) semaphore(%arg15 : memref<!tpu.dma_semaphore, #tpu.memory_space<semaphore_mem>>)
    %dma_start3A_49 = arith.constant 40 : i32
    %dma_start3A_50 = arith.constant 0 : i32
    %dma_start3A_51 = tpu.memref_slice %arg11[%dma_start3A_49, %dma_start3A_50] : memref<80x128xf32, #tpu.memory_space<vmem>> -> memref<40x128xf32, #tpu.memory_space<vmem>>
    %dma_start3A_52 = arith.constant 40 : i32
    %dma_start3A_53 = tpu.memref_slice %arg9[%dma_start3A_52] : memref<10000xi32, #tpu.memory_space<vmem>> -> memref<40xi32, #tpu.memory_space<vmem>>
    %dma_start3A_54 = arith.constant 0 : i32
    %dma_start3A_55 = arith.constant 0 : i32
    %dma_start3A_56 = tpu.memref_slice %arg2[%dma_start3A_54, %dma_start3A_55] : memref<10000x128xf32, #tpu.memory_space<hbm>> -> memref<10000x128xf32, #tpu.memory_space<hbm>>
    tpu.enqueue_indirect_dma source(%dma_start3A_56 : memref<10000x128xf32, #tpu.memory_space<hbm>>) target(%dma_start3A_51 : memref<40x128xf32, #tpu.memory_space<vmem>>) offsets(%dma_start3A_53 : memref<40xi32, #tpu.memory_space<vmem>>) semaphore(%arg17 : memref<!tpu.dma_semaphore, #tpu.memory_space<semaphore_mem>>)
    %add3A_57 = arith.constant 0 : i32
    %add3A_58 = arith.addi %arg1, %add3A_57 : i32
    %lt3A = arith.constant 125 : i32
    %lt3A_59 = arith.cmpi slt, %add3A_58, %lt3A : i32
    %convert_element_type3A = arith.extui %lt3A_59 : i1 to i32
    %cond3A = arith.constant 0 : i32
    %cond3A_60 = arith.cmpi ne, %convert_element_type3A, %cond3A : i32
    scf.if %cond3A_60 {
      %mul3A_315 = arith.constant 80 : i32
      %mul3A_316 = arith.muli %add3A_58, %mul3A_315 : i32
      "tpu.region"() ({
        %run_scoped3A = tpu.sem_alloc : memref<!tpu.dma_semaphore, #tpu.memory_space<semaphore_mem>>
        %dma_start3A_317 = arith.constant 0 : i32
        %dma_start3A_318 = arith.constant 0 : i32
        %dma_start3A_319 = tpu.memref_slice %arg12[%dma_start3A_317, %dma_start3A_318] : memref<80x128xf32, #tpu.memory_space<vmem>> -> memref<80x128xf32, #tpu.memory_space<vmem>>
        %dma_start3A_320 = arith.constant 0 : i32
        %dma_start3A_321 = tpu.memref_slice %arg7[%mul3A_316, %dma_start3A_320] : memref<10000x128xf32, #tpu.memory_space<vmem_shared>> -> memref<80x128xf32, #tpu.memory_space<vmem_shared>>
        %dma_start3A_322 = arith.constant 0 : i32
        %dma_start3A_323 = tpu.memref_slice %arg7[%mul3A_316, %dma_start3A_322] : memref<10000x128xf32, #tpu.memory_space<vmem_shared>> -> memref<80x128xf32, #tpu.memory_space<vmem_shared>>
        %dma_start3A_324 = arith.constant 0 : i32
        %dma_start3A_325 = arith.constant 0 : i32
        %dma_start3A_326 = tpu.memref_slice %arg12[%dma_start3A_324, %dma_start3A_325] : memref<80x128xf32, #tpu.memory_space<vmem>> -> memref<80x128xf32, #tpu.memory_space<vmem>>
        tpu.enqueue_dma source(%dma_start3A_326 : memref<80x128xf32, #tpu.memory_space<vmem>>) target(%dma_start3A_323 : memref<80x128xf32, #tpu.memory_space<vmem_shared>>) target_semaphore(%run_scoped3A : memref<!tpu.dma_semaphore, #tpu.memory_space<semaphore_mem>>)
        %dma_wait3A_327 = arith.constant 0 : i32
        %dma_wait3A_328 = arith.constant 0 : i32
        %dma_wait3A_329 = tpu.memref_slice %arg12[%dma_wait3A_327, %dma_wait3A_328] : memref<80x128xf32, #tpu.memory_space<vmem>> -> memref<80x128xf32, #tpu.memory_space<vmem>>
        %dma_wait3A_330 = arith.constant 0 : i32
        %dma_wait3A_331 = tpu.memref_slice %arg7[%mul3A_316, %dma_wait3A_330] : memref<10000x128xf32, #tpu.memory_space<vmem_shared>> -> memref<80x128xf32, #tpu.memory_space<vmem_shared>>
        %dma_wait3A_332 = arith.constant 0 : i32
        %dma_wait3A_333 = tpu.memref_slice %arg7[%mul3A_316, %dma_wait3A_332] : memref<10000x128xf32, #tpu.memory_space<vmem_shared>> -> memref<80x128xf32, #tpu.memory_space<vmem_shared>>
        %dma_wait3A_334 = arith.constant 0 : i32
        %dma_wait3A_335 = arith.constant 0 : i32
        %dma_wait3A_336 = tpu.memref_slice %arg12[%dma_wait3A_334, %dma_wait3A_335] : memref<80x128xf32, #tpu.memory_space<vmem>> -> memref<80x128xf32, #tpu.memory_space<vmem>>
        tpu.wait_dma2 semaphore(%run_scoped3A : memref<!tpu.dma_semaphore, #tpu.memory_space<semaphore_mem>>) src(%dma_wait3A_336 : memref<80x128xf32, #tpu.memory_space<vmem>>) dst(%dma_wait3A_333 : memref<80x128xf32, #tpu.memory_space<vmem_shared>>)
        tpu.yield
      }) : () -> ()
    } else {
    }
    %add3A_61 = arith.constant 16 : i32
    %add3A_62 = arith.addi %arg1, %add3A_61 : i32
    %lt3A_63 = arith.constant 125 : i32
    %lt3A_64 = arith.cmpi slt, %add3A_62, %lt3A_63 : i32
    %convert_element_type3A_65 = arith.extui %lt3A_64 : i1 to i32
    %cond3A_66 = arith.constant 0 : i32
    %cond3A_67 = arith.cmpi ne, %convert_element_type3A_65, %cond3A_66 : i32
    scf.if %cond3A_67 {
      %mul3A_315 = arith.constant 80 : i32
      %mul3A_316 = arith.muli %add3A_62, %mul3A_315 : i32
      "tpu.region"() ({
        %run_scoped3A = tpu.sem_alloc : memref<!tpu.dma_semaphore, #tpu.memory_space<semaphore_mem>>
        %dma_start3A_317 = arith.constant 0 : i32
        %dma_start3A_318 = arith.constant 0 : i32
        %dma_start3A_319 = tpu.memref_slice %arg12[%dma_start3A_317, %dma_start3A_318] : memref<80x128xf32, #tpu.memory_space<vmem>> -> memref<80x128xf32, #tpu.memory_space<vmem>>
        %dma_start3A_320 = arith.constant 0 : i32
        %dma_start3A_321 = tpu.memref_slice %arg7[%mul3A_316, %dma_start3A_320] : memref<10000x128xf32, #tpu.memory_space<vmem_shared>> -> memref<80x128xf32, #tpu.memory_space<vmem_shared>>
        %dma_start3A_322 = arith.constant 0 : i32
        %dma_start3A_323 = tpu.memref_slice %arg7[%mul3A_316, %dma_start3A_322] : memref<10000x128xf32, #tpu.memory_space<vmem_shared>> -> memref<80x128xf32, #tpu.memory_space<vmem_shared>>
        %dma_start3A_324 = arith.constant 0 : i32
        %dma_start3A_325 = arith.constant 0 : i32
        %dma_start3A_326 = tpu.memref_slice %arg12[%dma_start3A_324, %dma_start3A_325] : memref<80x128xf32, #tpu.memory_space<vmem>> -> memref<80x128xf32, #tpu.memory_space<vmem>>
        tpu.enqueue_dma source(%dma_start3A_326 : memref<80x128xf32, #tpu.memory_space<vmem>>) target(%dma_start3A_323 : memref<80x128xf32, #tpu.memory_space<vmem_shared>>) target_semaphore(%run_scoped3A : memref<!tpu.dma_semaphore, #tpu.memory_space<semaphore_mem>>)
        %dma_wait3A_327 = arith.constant 0 : i32
        %dma_wait3A_328 = arith.constant 0 : i32
        %dma_wait3A_329 = tpu.memref_slice %arg12[%dma_wait3A_327, %dma_wait3A_328] : memref<80x128xf32, #tpu.memory_space<vmem>> -> memref<80x128xf32, #tpu.memory_space<vmem>>
        %dma_wait3A_330 = arith.constant 0 : i32
        %dma_wait3A_331 = tpu.memref_slice %arg7[%mul3A_316, %dma_wait3A_330] : memref<10000x128xf32, #tpu.memory_space<vmem_shared>> -> memref<80x128xf32, #tpu.memory_space<vmem_shared>>
        %dma_wait3A_332 = arith.constant 0 : i32
        %dma_wait3A_333 = tpu.memref_slice %arg7[%mul3A_316, %dma_wait3A_332] : memref<10000x128xf32, #tpu.memory_space<vmem_shared>> -> memref<80x128xf32, #tpu.memory_space<vmem_shared>>
        %dma_wait3A_334 = arith.constant 0 : i32
        %dma_wait3A_335 = arith.constant 0 : i32
        %dma_wait3A_336 = tpu.memref_slice %arg12[%dma_wait3A_334, %dma_wait3A_335] : memref<80x128xf32, #tpu.memory_space<vmem>> -> memref<80x128xf32, #tpu.memory_space<vmem>>
        tpu.wait_dma2 semaphore(%run_scoped3A : memref<!tpu.dma_semaphore, #tpu.memory_space<semaphore_mem>>) src(%dma_wait3A_336 : memref<80x128xf32, #tpu.memory_space<vmem>>) dst(%dma_wait3A_333 : memref<80x128xf32, #tpu.memory_space<vmem_shared>>)
        tpu.yield
      }) : () -> ()
    } else {
    }
    %add3A_68 = arith.constant 32 : i32
    %add3A_69 = arith.addi %arg1, %add3A_68 : i32
    %lt3A_70 = arith.constant 125 : i32
    %lt3A_71 = arith.cmpi slt, %add3A_69, %lt3A_70 : i32
    %convert_element_type3A_72 = arith.extui %lt3A_71 : i1 to i32
    %cond3A_73 = arith.constant 0 : i32
    %cond3A_74 = arith.cmpi ne, %convert_element_type3A_72, %cond3A_73 : i32
    scf.if %cond3A_74 {
      %mul3A_315 = arith.constant 80 : i32
      %mul3A_316 = arith.muli %add3A_69, %mul3A_315 : i32
      "tpu.region"() ({
        %run_scoped3A = tpu.sem_alloc : memref<!tpu.dma_semaphore, #tpu.memory_space<semaphore_mem>>
        %dma_start3A_317 = arith.constant 0 : i32
        %dma_start3A_318 = arith.constant 0 : i32
        %dma_start3A_319 = tpu.memref_slice %arg12[%dma_start3A_317, %dma_start3A_318] : memref<80x128xf32, #tpu.memory_space<vmem>> -> memref<80x128xf32, #tpu.memory_space<vmem>>
        %dma_start3A_320 = arith.constant 0 : i32
        %dma_start3A_321 = tpu.memref_slice %arg7[%mul3A_316, %dma_start3A_320] : memref<10000x128xf32, #tpu.memory_space<vmem_shared>> -> memref<80x128xf32, #tpu.memory_space<vmem_shared>>
        %dma_start3A_322 = arith.constant 0 : i32
        %dma_start3A_323 = tpu.memref_slice %arg7[%mul3A_316, %dma_start3A_322] : memref<10000x128xf32, #tpu.memory_space<vmem_shared>> -> memref<80x128xf32, #tpu.memory_space<vmem_shared>>
        %dma_start3A_324 = arith.constant 0 : i32
        %dma_start3A_325 = arith.constant 0 : i32
        %dma_start3A_326 = tpu.memref_slice %arg12[%dma_start3A_324, %dma_start3A_325] : memref<80x128xf32, #tpu.memory_space<vmem>> -> memref<80x128xf32, #tpu.memory_space<vmem>>
        tpu.enqueue_dma source(%dma_start3A_326 : memref<80x128xf32, #tpu.memory_space<vmem>>) target(%dma_start3A_323 : memref<80x128xf32, #tpu.memory_space<vmem_shared>>) target_semaphore(%run_scoped3A : memref<!tpu.dma_semaphore, #tpu.memory_space<semaphore_mem>>)
        %dma_wait3A_327 = arith.constant 0 : i32
        %dma_wait3A_328 = arith.constant 0 : i32
        %dma_wait3A_329 = tpu.memref_slice %arg12[%dma_wait3A_327, %dma_wait3A_328] : memref<80x128xf32, #tpu.memory_space<vmem>> -> memref<80x128xf32, #tpu.memory_space<vmem>>
        %dma_wait3A_330 = arith.constant 0 : i32
        %dma_wait3A_331 = tpu.memref_slice %arg7[%mul3A_316, %dma_wait3A_330] : memref<10000x128xf32, #tpu.memory_space<vmem_shared>> -> memref<80x128xf32, #tpu.memory_space<vmem_shared>>
        %dma_wait3A_332 = arith.constant 0 : i32
        %dma_wait3A_333 = tpu.memref_slice %arg7[%mul3A_316, %dma_wait3A_332] : memref<10000x128xf32, #tpu.memory_space<vmem_shared>> -> memref<80x128xf32, #tpu.memory_space<vmem_shared>>
        %dma_wait3A_334 = arith.constant 0 : i32
        %dma_wait3A_335 = arith.constant 0 : i32
        %dma_wait3A_336 = tpu.memref_slice %arg12[%dma_wait3A_334, %dma_wait3A_335] : memref<80x128xf32, #tpu.memory_space<vmem>> -> memref<80x128xf32, #tpu.memory_space<vmem>>
        tpu.wait_dma2 semaphore(%run_scoped3A : memref<!tpu.dma_semaphore, #tpu.memory_space<semaphore_mem>>) src(%dma_wait3A_336 : memref<80x128xf32, #tpu.memory_space<vmem>>) dst(%dma_wait3A_333 : memref<80x128xf32, #tpu.memory_space<vmem_shared>>)
        tpu.yield
      }) : () -> ()
    } else {
    }
    %add3A_75 = arith.constant 48 : i32
    %add3A_76 = arith.addi %arg1, %add3A_75 : i32
    %lt3A_77 = arith.constant 125 : i32
    %lt3A_78 = arith.cmpi slt, %add3A_76, %lt3A_77 : i32
    %convert_element_type3A_79 = arith.extui %lt3A_78 : i1 to i32
    %cond3A_80 = arith.constant 0 : i32
    %cond3A_81 = arith.cmpi ne, %convert_element_type3A_79, %cond3A_80 : i32
    scf.if %cond3A_81 {
      %mul3A_315 = arith.constant 80 : i32
      %mul3A_316 = arith.muli %add3A_76, %mul3A_315 : i32
      "tpu.region"() ({
        %run_scoped3A = tpu.sem_alloc : memref<!tpu.dma_semaphore, #tpu.memory_space<semaphore_mem>>
        %dma_start3A_317 = arith.constant 0 : i32
        %dma_start3A_318 = arith.constant 0 : i32
        %dma_start3A_319 = tpu.memref_slice %arg12[%dma_start3A_317, %dma_start3A_318] : memref<80x128xf32, #tpu.memory_space<vmem>> -> memref<80x128xf32, #tpu.memory_space<vmem>>
        %dma_start3A_320 = arith.constant 0 : i32
        %dma_start3A_321 = tpu.memref_slice %arg7[%mul3A_316, %dma_start3A_320] : memref<10000x128xf32, #tpu.memory_space<vmem_shared>> -> memref<80x128xf32, #tpu.memory_space<vmem_shared>>
        %dma_start3A_322 = arith.constant 0 : i32
        %dma_start3A_323 = tpu.memref_slice %arg7[%mul3A_316, %dma_start3A_322] : memref<10000x128xf32, #tpu.memory_space<vmem_shared>> -> memref<80x128xf32, #tpu.memory_space<vmem_shared>>
        %dma_start3A_324 = arith.constant 0 : i32
        %dma_start3A_325 = arith.constant 0 : i32
        %dma_start3A_326 = tpu.memref_slice %arg12[%dma_start3A_324, %dma_start3A_325] : memref<80x128xf32, #tpu.memory_space<vmem>> -> memref<80x128xf32, #tpu.memory_space<vmem>>
        tpu.enqueue_dma source(%dma_start3A_326 : memref<80x128xf32, #tpu.memory_space<vmem>>) target(%dma_start3A_323 : memref<80x128xf32, #tpu.memory_space<vmem_shared>>) target_semaphore(%run_scoped3A : memref<!tpu.dma_semaphore, #tpu.memory_space<semaphore_mem>>)
        %dma_wait3A_327 = arith.constant 0 : i32
        %dma_wait3A_328 = arith.constant 0 : i32
        %dma_wait3A_329 = tpu.memref_slice %arg12[%dma_wait3A_327, %dma_wait3A_328] : memref<80x128xf32, #tpu.memory_space<vmem>> -> memref<80x128xf32, #tpu.memory_space<vmem>>
        %dma_wait3A_330 = arith.constant 0 : i32
        %dma_wait3A_331 = tpu.memref_slice %arg7[%mul3A_316, %dma_wait3A_330] : memref<10000x128xf32, #tpu.memory_space<vmem_shared>> -> memref<80x128xf32, #tpu.memory_space<vmem_shared>>
        %dma_wait3A_332 = arith.constant 0 : i32
        %dma_wait3A_333 = tpu.memref_slice %arg7[%mul3A_316, %dma_wait3A_332] : memref<10000x128xf32, #tpu.memory_space<vmem_shared>> -> memref<80x128xf32, #tpu.memory_space<vmem_shared>>
        %dma_wait3A_334 = arith.constant 0 : i32
        %dma_wait3A_335 = arith.constant 0 : i32
        %dma_wait3A_336 = tpu.memref_slice %arg12[%dma_wait3A_334, %dma_wait3A_335] : memref<80x128xf32, #tpu.memory_space<vmem>> -> memref<80x128xf32, #tpu.memory_space<vmem>>
        tpu.wait_dma2 semaphore(%run_scoped3A : memref<!tpu.dma_semaphore, #tpu.memory_space<semaphore_mem>>) src(%dma_wait3A_336 : memref<80x128xf32, #tpu.memory_space<vmem>>) dst(%dma_wait3A_333 : memref<80x128xf32, #tpu.memory_space<vmem_shared>>)
        tpu.yield
      }) : () -> ()
    } else {
    }
    %add3A_82 = arith.constant 64 : i32
    %add3A_83 = arith.addi %arg1, %add3A_82 : i32
    %lt3A_84 = arith.constant 125 : i32
    %lt3A_85 = arith.cmpi slt, %add3A_83, %lt3A_84 : i32
    %convert_element_type3A_86 = arith.extui %lt3A_85 : i1 to i32
    %cond3A_87 = arith.constant 0 : i32
    %cond3A_88 = arith.cmpi ne, %convert_element_type3A_86, %cond3A_87 : i32
    scf.if %cond3A_88 {
      %mul3A_315 = arith.constant 80 : i32
      %mul3A_316 = arith.muli %add3A_83, %mul3A_315 : i32
      "tpu.region"() ({
        %run_scoped3A = tpu.sem_alloc : memref<!tpu.dma_semaphore, #tpu.memory_space<semaphore_mem>>
        %dma_start3A_317 = arith.constant 0 : i32
        %dma_start3A_318 = arith.constant 0 : i32
        %dma_start3A_319 = tpu.memref_slice %arg12[%dma_start3A_317, %dma_start3A_318] : memref<80x128xf32, #tpu.memory_space<vmem>> -> memref<80x128xf32, #tpu.memory_space<vmem>>
        %dma_start3A_320 = arith.constant 0 : i32
        %dma_start3A_321 = tpu.memref_slice %arg7[%mul3A_316, %dma_start3A_320] : memref<10000x128xf32, #tpu.memory_space<vmem_shared>> -> memref<80x128xf32, #tpu.memory_space<vmem_shared>>
        %dma_start3A_322 = arith.constant 0 : i32
        %dma_start3A_323 = tpu.memref_slice %arg7[%mul3A_316, %dma_start3A_322] : memref<10000x128xf32, #tpu.memory_space<vmem_shared>> -> memref<80x128xf32, #tpu.memory_space<vmem_shared>>
        %dma_start3A_324 = arith.constant 0 : i32
        %dma_start3A_325 = arith.constant 0 : i32
        %dma_start3A_326 = tpu.memref_slice %arg12[%dma_start3A_324, %dma_start3A_325] : memref<80x128xf32, #tpu.memory_space<vmem>> -> memref<80x128xf32, #tpu.memory_space<vmem>>
        tpu.enqueue_dma source(%dma_start3A_326 : memref<80x128xf32, #tpu.memory_space<vmem>>) target(%dma_start3A_323 : memref<80x128xf32, #tpu.memory_space<vmem_shared>>) target_semaphore(%run_scoped3A : memref<!tpu.dma_semaphore, #tpu.memory_space<semaphore_mem>>)
        %dma_wait3A_327 = arith.constant 0 : i32
        %dma_wait3A_328 = arith.constant 0 : i32
        %dma_wait3A_329 = tpu.memref_slice %arg12[%dma_wait3A_327, %dma_wait3A_328] : memref<80x128xf32, #tpu.memory_space<vmem>> -> memref<80x128xf32, #tpu.memory_space<vmem>>
        %dma_wait3A_330 = arith.constant 0 : i32
        %dma_wait3A_331 = tpu.memref_slice %arg7[%mul3A_316, %dma_wait3A_330] : memref<10000x128xf32, #tpu.memory_space<vmem_shared>> -> memref<80x128xf32, #tpu.memory_space<vmem_shared>>
        %dma_wait3A_332 = arith.constant 0 : i32
        %dma_wait3A_333 = tpu.memref_slice %arg7[%mul3A_316, %dma_wait3A_332] : memref<10000x128xf32, #tpu.memory_space<vmem_shared>> -> memref<80x128xf32, #tpu.memory_space<vmem_shared>>
        %dma_wait3A_334 = arith.constant 0 : i32
        %dma_wait3A_335 = arith.constant 0 : i32
        %dma_wait3A_336 = tpu.memref_slice %arg12[%dma_wait3A_334, %dma_wait3A_335] : memref<80x128xf32, #tpu.memory_space<vmem>> -> memref<80x128xf32, #tpu.memory_space<vmem>>
        tpu.wait_dma2 semaphore(%run_scoped3A : memref<!tpu.dma_semaphore, #tpu.memory_space<semaphore_mem>>) src(%dma_wait3A_336 : memref<80x128xf32, #tpu.memory_space<vmem>>) dst(%dma_wait3A_333 : memref<80x128xf32, #tpu.memory_space<vmem_shared>>)
        tpu.yield
      }) : () -> ()
    } else {
    }
    %add3A_89 = arith.constant 80 : i32
    %add3A_90 = arith.addi %arg1, %add3A_89 : i32
    %lt3A_91 = arith.constant 125 : i32
    %lt3A_92 = arith.cmpi slt, %add3A_90, %lt3A_91 : i32
    %convert_element_type3A_93 = arith.extui %lt3A_92 : i1 to i32
    %cond3A_94 = arith.constant 0 : i32
    %cond3A_95 = arith.cmpi ne, %convert_element_type3A_93, %cond3A_94 : i32
    scf.if %cond3A_95 {
      %mul3A_315 = arith.constant 80 : i32
      %mul3A_316 = arith.muli %add3A_90, %mul3A_315 : i32
      "tpu.region"() ({
        %run_scoped3A = tpu.sem_alloc : memref<!tpu.dma_semaphore, #tpu.memory_space<semaphore_mem>>
        %dma_start3A_317 = arith.constant 0 : i32
        %dma_start3A_318 = arith.constant 0 : i32
        %dma_start3A_319 = tpu.memref_slice %arg12[%dma_start3A_317, %dma_start3A_318] : memref<80x128xf32, #tpu.memory_space<vmem>> -> memref<80x128xf32, #tpu.memory_space<vmem>>
        %dma_start3A_320 = arith.constant 0 : i32
        %dma_start3A_321 = tpu.memref_slice %arg7[%mul3A_316, %dma_start3A_320] : memref<10000x128xf32, #tpu.memory_space<vmem_shared>> -> memref<80x128xf32, #tpu.memory_space<vmem_shared>>
        %dma_start3A_322 = arith.constant 0 : i32
        %dma_start3A_323 = tpu.memref_slice %arg7[%mul3A_316, %dma_start3A_322] : memref<10000x128xf32, #tpu.memory_space<vmem_shared>> -> memref<80x128xf32, #tpu.memory_space<vmem_shared>>
        %dma_start3A_324 = arith.constant 0 : i32
        %dma_start3A_325 = arith.constant 0 : i32
        %dma_start3A_326 = tpu.memref_slice %arg12[%dma_start3A_324, %dma_start3A_325] : memref<80x128xf32, #tpu.memory_space<vmem>> -> memref<80x128xf32, #tpu.memory_space<vmem>>
        tpu.enqueue_dma source(%dma_start3A_326 : memref<80x128xf32, #tpu.memory_space<vmem>>) target(%dma_start3A_323 : memref<80x128xf32, #tpu.memory_space<vmem_shared>>) target_semaphore(%run_scoped3A : memref<!tpu.dma_semaphore, #tpu.memory_space<semaphore_mem>>)
        %dma_wait3A_327 = arith.constant 0 : i32
        %dma_wait3A_328 = arith.constant 0 : i32
        %dma_wait3A_329 = tpu.memref_slice %arg12[%dma_wait3A_327, %dma_wait3A_328] : memref<80x128xf32, #tpu.memory_space<vmem>> -> memref<80x128xf32, #tpu.memory_space<vmem>>
        %dma_wait3A_330 = arith.constant 0 : i32
        %dma_wait3A_331 = tpu.memref_slice %arg7[%mul3A_316, %dma_wait3A_330] : memref<10000x128xf32, #tpu.memory_space<vmem_shared>> -> memref<80x128xf32, #tpu.memory_space<vmem_shared>>
        %dma_wait3A_332 = arith.constant 0 : i32
        %dma_wait3A_333 = tpu.memref_slice %arg7[%mul3A_316, %dma_wait3A_332] : memref<10000x128xf32, #tpu.memory_space<vmem_shared>> -> memref<80x128xf32, #tpu.memory_space<vmem_shared>>
        %dma_wait3A_334 = arith.constant 0 : i32
        %dma_wait3A_335 = arith.constant 0 : i32
        %dma_wait3A_336 = tpu.memref_slice %arg12[%dma_wait3A_334, %dma_wait3A_335] : memref<80x128xf32, #tpu.memory_space<vmem>> -> memref<80x128xf32, #tpu.memory_space<vmem>>
        tpu.wait_dma2 semaphore(%run_scoped3A : memref<!tpu.dma_semaphore, #tpu.memory_space<semaphore_mem>>) src(%dma_wait3A_336 : memref<80x128xf32, #tpu.memory_space<vmem>>) dst(%dma_wait3A_333 : memref<80x128xf32, #tpu.memory_space<vmem_shared>>)
        tpu.yield
      }) : () -> ()
    } else {
    }
    %add3A_96 = arith.constant 96 : i32
    %add3A_97 = arith.addi %arg1, %add3A_96 : i32
    %lt3A_98 = arith.constant 125 : i32
    %lt3A_99 = arith.cmpi slt, %add3A_97, %lt3A_98 : i32
    %convert_element_type3A_100 = arith.extui %lt3A_99 : i1 to i32
    %cond3A_101 = arith.constant 0 : i32
    %cond3A_102 = arith.cmpi ne, %convert_element_type3A_100, %cond3A_101 : i32
    scf.if %cond3A_102 {
      %mul3A_315 = arith.constant 80 : i32
      %mul3A_316 = arith.muli %add3A_97, %mul3A_315 : i32
      "tpu.region"() ({
        %run_scoped3A = tpu.sem_alloc : memref<!tpu.dma_semaphore, #tpu.memory_space<semaphore_mem>>
        %dma_start3A_317 = arith.constant 0 : i32
        %dma_start3A_318 = arith.constant 0 : i32
        %dma_start3A_319 = tpu.memref_slice %arg12[%dma_start3A_317, %dma_start3A_318] : memref<80x128xf32, #tpu.memory_space<vmem>> -> memref<80x128xf32, #tpu.memory_space<vmem>>
        %dma_start3A_320 = arith.constant 0 : i32
        %dma_start3A_321 = tpu.memref_slice %arg7[%mul3A_316, %dma_start3A_320] : memref<10000x128xf32, #tpu.memory_space<vmem_shared>> -> memref<80x128xf32, #tpu.memory_space<vmem_shared>>
        %dma_start3A_322 = arith.constant 0 : i32
        %dma_start3A_323 = tpu.memref_slice %arg7[%mul3A_316, %dma_start3A_322] : memref<10000x128xf32, #tpu.memory_space<vmem_shared>> -> memref<80x128xf32, #tpu.memory_space<vmem_shared>>
        %dma_start3A_324 = arith.constant 0 : i32
        %dma_start3A_325 = arith.constant 0 : i32
        %dma_start3A_326 = tpu.memref_slice %arg12[%dma_start3A_324, %dma_start3A_325] : memref<80x128xf32, #tpu.memory_space<vmem>> -> memref<80x128xf32, #tpu.memory_space<vmem>>
        tpu.enqueue_dma source(%dma_start3A_326 : memref<80x128xf32, #tpu.memory_space<vmem>>) target(%dma_start3A_323 : memref<80x128xf32, #tpu.memory_space<vmem_shared>>) target_semaphore(%run_scoped3A : memref<!tpu.dma_semaphore, #tpu.memory_space<semaphore_mem>>)
        %dma_wait3A_327 = arith.constant 0 : i32
        %dma_wait3A_328 = arith.constant 0 : i32
        %dma_wait3A_329 = tpu.memref_slice %arg12[%dma_wait3A_327, %dma_wait3A_328] : memref<80x128xf32, #tpu.memory_space<vmem>> -> memref<80x128xf32, #tpu.memory_space<vmem>>
        %dma_wait3A_330 = arith.constant 0 : i32
        %dma_wait3A_331 = tpu.memref_slice %arg7[%mul3A_316, %dma_wait3A_330] : memref<10000x128xf32, #tpu.memory_space<vmem_shared>> -> memref<80x128xf32, #tpu.memory_space<vmem_shared>>
        %dma_wait3A_332 = arith.constant 0 : i32
        %dma_wait3A_333 = tpu.memref_slice %arg7[%mul3A_316, %dma_wait3A_332] : memref<10000x128xf32, #tpu.memory_space<vmem_shared>> -> memref<80x128xf32, #tpu.memory_space<vmem_shared>>
        %dma_wait3A_334 = arith.constant 0 : i32
        %dma_wait3A_335 = arith.constant 0 : i32
        %dma_wait3A_336 = tpu.memref_slice %arg12[%dma_wait3A_334, %dma_wait3A_335] : memref<80x128xf32, #tpu.memory_space<vmem>> -> memref<80x128xf32, #tpu.memory_space<vmem>>
        tpu.wait_dma2 semaphore(%run_scoped3A : memref<!tpu.dma_semaphore, #tpu.memory_space<semaphore_mem>>) src(%dma_wait3A_336 : memref<80x128xf32, #tpu.memory_space<vmem>>) dst(%dma_wait3A_333 : memref<80x128xf32, #tpu.memory_space<vmem_shared>>)
        tpu.yield
      }) : () -> ()
    } else {
    }
    %add3A_103 = arith.constant 112 : i32
    %add3A_104 = arith.addi %arg1, %add3A_103 : i32
    %lt3A_105 = arith.constant 125 : i32
    %lt3A_106 = arith.cmpi slt, %add3A_104, %lt3A_105 : i32
    %convert_element_type3A_107 = arith.extui %lt3A_106 : i1 to i32
    %cond3A_108 = arith.constant 0 : i32
    %cond3A_109 = arith.cmpi ne, %convert_element_type3A_107, %cond3A_108 : i32
    scf.if %cond3A_109 {
      %mul3A_315 = arith.constant 80 : i32
      %mul3A_316 = arith.muli %add3A_104, %mul3A_315 : i32
      "tpu.region"() ({
        %run_scoped3A = tpu.sem_alloc : memref<!tpu.dma_semaphore, #tpu.memory_space<semaphore_mem>>
        %dma_start3A_317 = arith.constant 0 : i32
        %dma_start3A_318 = arith.constant 0 : i32
        %dma_start3A_319 = tpu.memref_slice %arg12[%dma_start3A_317, %dma_start3A_318] : memref<80x128xf32, #tpu.memory_space<vmem>> -> memref<80x128xf32, #tpu.memory_space<vmem>>
        %dma_start3A_320 = arith.constant 0 : i32
        %dma_start3A_321 = tpu.memref_slice %arg7[%mul3A_316, %dma_start3A_320] : memref<10000x128xf32, #tpu.memory_space<vmem_shared>> -> memref<80x128xf32, #tpu.memory_space<vmem_shared>>
        %dma_start3A_322 = arith.constant 0 : i32
        %dma_start3A_323 = tpu.memref_slice %arg7[%mul3A_316, %dma_start3A_322] : memref<10000x128xf32, #tpu.memory_space<vmem_shared>> -> memref<80x128xf32, #tpu.memory_space<vmem_shared>>
        %dma_start3A_324 = arith.constant 0 : i32
        %dma_start3A_325 = arith.constant 0 : i32
        %dma_start3A_326 = tpu.memref_slice %arg12[%dma_start3A_324, %dma_start3A_325] : memref<80x128xf32, #tpu.memory_space<vmem>> -> memref<80x128xf32, #tpu.memory_space<vmem>>
        tpu.enqueue_dma source(%dma_start3A_326 : memref<80x128xf32, #tpu.memory_space<vmem>>) target(%dma_start3A_323 : memref<80x128xf32, #tpu.memory_space<vmem_shared>>) target_semaphore(%run_scoped3A : memref<!tpu.dma_semaphore, #tpu.memory_space<semaphore_mem>>)
        %dma_wait3A_327 = arith.constant 0 : i32
        %dma_wait3A_328 = arith.constant 0 : i32
        %dma_wait3A_329 = tpu.memref_slice %arg12[%dma_wait3A_327, %dma_wait3A_328] : memref<80x128xf32, #tpu.memory_space<vmem>> -> memref<80x128xf32, #tpu.memory_space<vmem>>
        %dma_wait3A_330 = arith.constant 0 : i32
        %dma_wait3A_331 = tpu.memref_slice %arg7[%mul3A_316, %dma_wait3A_330] : memref<10000x128xf32, #tpu.memory_space<vmem_shared>> -> memref<80x128xf32, #tpu.memory_space<vmem_shared>>
        %dma_wait3A_332 = arith.constant 0 : i32
        %dma_wait3A_333 = tpu.memref_slice %arg7[%mul3A_316, %dma_wait3A_332] : memref<10000x128xf32, #tpu.memory_space<vmem_shared>> -> memref<80x128xf32, #tpu.memory_space<vmem_shared>>
        %dma_wait3A_334 = arith.constant 0 : i32
        %dma_wait3A_335 = arith.constant 0 : i32
        %dma_wait3A_336 = tpu.memref_slice %arg12[%dma_wait3A_334, %dma_wait3A_335] : memref<80x128xf32, #tpu.memory_space<vmem>> -> memref<80x128xf32, #tpu.memory_space<vmem>>
        tpu.wait_dma2 semaphore(%run_scoped3A : memref<!tpu.dma_semaphore, #tpu.memory_space<semaphore_mem>>) src(%dma_wait3A_336 : memref<80x128xf32, #tpu.memory_space<vmem>>) dst(%dma_wait3A_333 : memref<80x128xf32, #tpu.memory_space<vmem_shared>>)
        tpu.yield
      }) : () -> ()
    } else {
    }
    %mul3A_110 = arith.constant 640 : i32
    %mul3A_111 = arith.muli %arg1, %mul3A_110 : i32
    "tpu.region"() ({
      %run_scoped3A = tpu.sem_alloc : memref<!tpu.dma_semaphore, #tpu.memory_space<semaphore_mem>>
      %dma_start3A_315 = tpu.memref_slice %arg8[%mul3A_111] : memref<10240xf32, #tpu.memory_space<vmem_shared>> -> memref<640xf32, #tpu.memory_space<vmem_shared>>
      %dma_start3A_316 = tpu.memref_slice %arg8[%mul3A_111] : memref<10240xf32, #tpu.memory_space<vmem_shared>> -> memref<640xf32, #tpu.memory_space<vmem_shared>>
      tpu.enqueue_dma source(%arg14 : memref<640xf32, #tpu.memory_space<vmem>>) target(%dma_start3A_316 : memref<640xf32, #tpu.memory_space<vmem_shared>>) target_semaphore(%run_scoped3A : memref<!tpu.dma_semaphore, #tpu.memory_space<semaphore_mem>>)
      %dma_wait3A_317 = tpu.memref_slice %arg8[%mul3A_111] : memref<10240xf32, #tpu.memory_space<vmem_shared>> -> memref<640xf32, #tpu.memory_space<vmem_shared>>
      %dma_wait3A_318 = tpu.memref_slice %arg8[%mul3A_111] : memref<10240xf32, #tpu.memory_space<vmem_shared>> -> memref<640xf32, #tpu.memory_space<vmem_shared>>
      tpu.wait_dma2 semaphore(%run_scoped3A : memref<!tpu.dma_semaphore, #tpu.memory_space<semaphore_mem>>) src(%arg14 : memref<640xf32, #tpu.memory_space<vmem>>) dst(%dma_wait3A_318 : memref<640xf32, #tpu.memory_space<vmem_shared>>)
      tpu.yield
    }) : () -> ()
    %dma_wait3A_112 = arith.constant 0 : i32
    %dma_wait3A_113 = arith.constant 0 : i32
    %dma_wait3A_114 = tpu.memref_slice %arg4[%add3A, %dma_wait3A_112, %dma_wait3A_113] : memref<32x125x80xi32, #tpu.memory_space<hbm>> -> memref<1x125x80xi32, #tpu.memory_space<hbm>>
    %dma_wait3A_115 = tpu.memref_squeeze %dma_wait3A_114 : memref<1x125x80xi32, #tpu.memory_space<hbm>> -> memref<125x80xi32, #tpu.memory_space<hbm>>
    %dma_wait3A_116 = arith.constant 0 : i32
    %dma_wait3A_117 = arith.constant 0 : i32
    %dma_wait3A_118 = tpu.memref_slice %arg4[%add3A, %dma_wait3A_116, %dma_wait3A_117] : memref<32x125x80xi32, #tpu.memory_space<hbm>> -> memref<1x125x80xi32, #tpu.memory_space<hbm>>
    %dma_wait3A_119 = tpu.memref_squeeze %dma_wait3A_118 : memref<1x125x80xi32, #tpu.memory_space<hbm>> -> memref<125x80xi32, #tpu.memory_space<hbm>>
    tpu.wait_dma2 semaphore(%arg23 : memref<!tpu.dma_semaphore, #tpu.memory_space<semaphore_mem>>) src(%dma_wait3A_119 : memref<125x80xi32, #tpu.memory_space<hbm>>) dst(%arg10 : memref<125x80xi32, #tpu.memory_space<vmem>>)
    %barrier3A = arith.constant 0 : index
    tpu.barrier barrier_id(%barrier3A)
    %dma_wait3A_120 = arith.constant 0 : i32
    %dma_wait3A_121 = arith.constant 0 : i32
    %dma_wait3A_122 = tpu.memref_slice %arg11[%dma_wait3A_120, %dma_wait3A_121] : memref<80x128xf32, #tpu.memory_space<vmem>> -> memref<40x128xf32, #tpu.memory_space<vmem>>
    %dma_wait3A_123 = arith.constant 0 : i32
    %dma_wait3A_124 = tpu.memref_slice %arg9[%dma_wait3A_123] : memref<10000xi32, #tpu.memory_space<vmem>> -> memref<40xi32, #tpu.memory_space<vmem>>
    %dma_wait3A_125 = arith.constant 0 : i32
    %dma_wait3A_126 = arith.constant 0 : i32
    %dma_wait3A_127 = tpu.memref_slice %arg2[%dma_wait3A_125, %dma_wait3A_126] : memref<10000x128xf32, #tpu.memory_space<hbm>> -> memref<10000x128xf32, #tpu.memory_space<hbm>>
    tpu.wait_indirect_dma semaphore(%arg15 : memref<!tpu.dma_semaphore, #tpu.memory_space<semaphore_mem>>) src(%dma_wait3A_127 : memref<10000x128xf32, #tpu.memory_space<hbm>>) dst(%dma_wait3A_122 : memref<40x128xf32, #tpu.memory_space<vmem>>)
    %dma_wait3A_128 = arith.constant 40 : i32
    %dma_wait3A_129 = arith.constant 0 : i32
    %dma_wait3A_130 = tpu.memref_slice %arg11[%dma_wait3A_128, %dma_wait3A_129] : memref<80x128xf32, #tpu.memory_space<vmem>> -> memref<40x128xf32, #tpu.memory_space<vmem>>
    %dma_wait3A_131 = arith.constant 0 : i32
    %dma_wait3A_132 = tpu.memref_slice %arg9[%dma_wait3A_131] : memref<10000xi32, #tpu.memory_space<vmem>> -> memref<40xi32, #tpu.memory_space<vmem>>
    %dma_wait3A_133 = arith.constant 0 : i32
    %dma_wait3A_134 = arith.constant 0 : i32
    %dma_wait3A_135 = tpu.memref_slice %arg2[%dma_wait3A_133, %dma_wait3A_134] : memref<10000x128xf32, #tpu.memory_space<hbm>> -> memref<10000x128xf32, #tpu.memory_space<hbm>>
    tpu.wait_indirect_dma semaphore(%arg17 : memref<!tpu.dma_semaphore, #tpu.memory_space<semaphore_mem>>) src(%dma_wait3A_135 : memref<10000x128xf32, #tpu.memory_space<hbm>>) dst(%dma_wait3A_130 : memref<40x128xf32, #tpu.memory_space<vmem>>)
    %dma_start3A_136 = arith.constant 0 : i32
    %dma_start3A_137 = arith.constant 0 : i32
    %dma_start3A_138 = tpu.memref_slice %arg10[%dma_start3A_136, %dma_start3A_137] : memref<125x80xi32, #tpu.memory_space<vmem>> -> memref<1x80xi32, #tpu.memory_space<vmem>>
    %dma_start3A_139 = tpu.memref_squeeze %dma_start3A_138 : memref<1x80xi32, #tpu.memory_space<vmem>> -> memref<80xi32, #tpu.memory_space<vmem>>
    %dma_start3A_140 = arith.constant 0 : i32
    %dma_start3A_141 = arith.constant 0 : i32
    %dma_start3A_142 = tpu.memref_slice %arg7[%dma_start3A_140, %dma_start3A_141] : memref<10000x128xf32, #tpu.memory_space<vmem_shared>> -> memref<10000x128xf32, #tpu.memory_space<vmem_shared>>
    tpu.enqueue_indirect_dma source(%arg11 : memref<80x128xf32, #tpu.memory_space<vmem>>) target(%dma_start3A_142 : memref<10000x128xf32, #tpu.memory_space<vmem_shared>>) offsets(%dma_start3A_139 : memref<80xi32, #tpu.memory_space<vmem>>) semaphore(%arg19 : memref<!tpu.dma_semaphore, #tpu.memory_space<semaphore_mem>>) {add = true}
    %dma_start3A_143 = arith.constant 0 : i32
    %dma_start3A_144 = arith.constant 0 : i32
    %dma_start3A_145 = tpu.memref_slice %arg10[%dma_start3A_143, %dma_start3A_144] : memref<125x80xi32, #tpu.memory_space<vmem>> -> memref<1x80xi32, #tpu.memory_space<vmem>>
    %dma_start3A_146 = tpu.memref_squeeze %dma_start3A_145 : memref<1x80xi32, #tpu.memory_space<vmem>> -> memref<80xi32, #tpu.memory_space<vmem>>
    %dma_start3A_147 = arith.constant 0 : i32
    %dma_start3A_148 = tpu.memref_slice %arg8[%dma_start3A_147] : memref<10240xf32, #tpu.memory_space<vmem_shared>> -> memref<10240xf32, #tpu.memory_space<vmem_shared>>
    tpu.enqueue_indirect_dma source(%arg13 : memref<80xf32, #tpu.memory_space<vmem>>) target(%dma_start3A_148 : memref<10240xf32, #tpu.memory_space<vmem_shared>>) offsets(%dma_start3A_146 : memref<80xi32, #tpu.memory_space<vmem>>) semaphore(%arg21 : memref<!tpu.dma_semaphore, #tpu.memory_space<semaphore_mem>>) {add = true}
    %dma_start3A_149 = arith.constant 0 : i32
    %dma_start3A_150 = arith.constant 0 : i32
    %dma_start3A_151 = tpu.memref_slice %arg12[%dma_start3A_149, %dma_start3A_150] : memref<80x128xf32, #tpu.memory_space<vmem>> -> memref<40x128xf32, #tpu.memory_space<vmem>>
    %dma_start3A_152 = arith.constant 80 : i32
    %dma_start3A_153 = tpu.memref_slice %arg9[%dma_start3A_152] : memref<10000xi32, #tpu.memory_space<vmem>> -> memref<40xi32, #tpu.memory_space<vmem>>
    %dma_start3A_154 = arith.constant 0 : i32
    %dma_start3A_155 = arith.constant 0 : i32
    %dma_start3A_156 = tpu.memref_slice %arg2[%dma_start3A_154, %dma_start3A_155] : memref<10000x128xf32, #tpu.memory_space<hbm>> -> memref<10000x128xf32, #tpu.memory_space<hbm>>
    tpu.enqueue_indirect_dma source(%dma_start3A_156 : memref<10000x128xf32, #tpu.memory_space<hbm>>) target(%dma_start3A_151 : memref<40x128xf32, #tpu.memory_space<vmem>>) offsets(%dma_start3A_153 : memref<40xi32, #tpu.memory_space<vmem>>) semaphore(%arg16 : memref<!tpu.dma_semaphore, #tpu.memory_space<semaphore_mem>>)
    %dma_start3A_157 = arith.constant 40 : i32
    %dma_start3A_158 = arith.constant 0 : i32
    %dma_start3A_159 = tpu.memref_slice %arg12[%dma_start3A_157, %dma_start3A_158] : memref<80x128xf32, #tpu.memory_space<vmem>> -> memref<40x128xf32, #tpu.memory_space<vmem>>
    %dma_start3A_160 = arith.constant 120 : i32
    %dma_start3A_161 = tpu.memref_slice %arg9[%dma_start3A_160] : memref<10000xi32, #tpu.memory_space<vmem>> -> memref<40xi32, #tpu.memory_space<vmem>>
    %dma_start3A_162 = arith.constant 0 : i32
    %dma_start3A_163 = arith.constant 0 : i32
    %dma_start3A_164 = tpu.memref_slice %arg2[%dma_start3A_162, %dma_start3A_163] : memref<10000x128xf32, #tpu.memory_space<hbm>> -> memref<10000x128xf32, #tpu.memory_space<hbm>>
    tpu.enqueue_indirect_dma source(%dma_start3A_164 : memref<10000x128xf32, #tpu.memory_space<hbm>>) target(%dma_start3A_159 : memref<40x128xf32, #tpu.memory_space<vmem>>) offsets(%dma_start3A_161 : memref<40xi32, #tpu.memory_space<vmem>>) semaphore(%arg18 : memref<!tpu.dma_semaphore, #tpu.memory_space<semaphore_mem>>)
    %scan3A_165 = arith.constant 0 : i32
    %scan3A_166 = arith.constant 0 : i32
    %scan3A_167 = arith.constant 62 : i32
    %scan3A_168 = arith.addi %scan3A_166, %scan3A_167 : i32
    %scan3A_169 = arith.constant 1 : i32
    scf.for %scan3A_315 = %scan3A_166 to %scan3A_168 step %scan3A_169  : i32 {
      %mul3A_316 = arith.constant 2 : i32
      %mul3A_317 = arith.muli %mul3A_316, %scan3A_315 : i32
      %add3A_318 = arith.constant 1 : i32
      %add3A_319 = arith.addi %mul3A_317, %add3A_318 : i32
      %add3A_320 = arith.constant 1 : i32
      %add3A_321 = arith.addi %add3A_319, %add3A_320 : i32
      %dma_wait3A_322 = arith.constant 0 : i32
      %dma_wait3A_323 = arith.constant 0 : i32
      %dma_wait3A_324 = tpu.memref_slice %arg10[%dma_wait3A_322, %dma_wait3A_323] : memref<125x80xi32, #tpu.memory_space<vmem>> -> memref<1x80xi32, #tpu.memory_space<vmem>>
      %dma_wait3A_325 = tpu.memref_squeeze %dma_wait3A_324 : memref<1x80xi32, #tpu.memory_space<vmem>> -> memref<80xi32, #tpu.memory_space<vmem>>
      %dma_wait3A_326 = arith.constant 0 : i32
      %dma_wait3A_327 = arith.constant 0 : i32
      %dma_wait3A_328 = tpu.memref_slice %arg7[%dma_wait3A_326, %dma_wait3A_327] : memref<10000x128xf32, #tpu.memory_space<vmem_shared>> -> memref<10000x128xf32, #tpu.memory_space<vmem_shared>>
      tpu.wait_indirect_dma semaphore(%arg19 : memref<!tpu.dma_semaphore, #tpu.memory_space<semaphore_mem>>) src(%arg11 : memref<80x128xf32, #tpu.memory_space<vmem>>) dst(%dma_wait3A_328 : memref<10000x128xf32, #tpu.memory_space<vmem_shared>>)
      %mul3A_329 = arith.constant 80 : i32
      %mul3A_330 = arith.muli %add3A_321, %mul3A_329 : i32
      %dma_start3A_331 = arith.constant 0 : i32
      %dma_start3A_332 = arith.constant 0 : i32
      %dma_start3A_333 = tpu.memref_slice %arg11[%dma_start3A_331, %dma_start3A_332] : memref<80x128xf32, #tpu.memory_space<vmem>> -> memref<40x128xf32, #tpu.memory_space<vmem>>
      %dma_start3A_334 = tpu.memref_slice %arg9[%mul3A_330] : memref<10000xi32, #tpu.memory_space<vmem>> -> memref<40xi32, #tpu.memory_space<vmem>>
      %dma_start3A_335 = arith.constant 0 : i32
      %dma_start3A_336 = arith.constant 0 : i32
      %dma_start3A_337 = tpu.memref_slice %arg2[%dma_start3A_335, %dma_start3A_336] : memref<10000x128xf32, #tpu.memory_space<hbm>> -> memref<10000x128xf32, #tpu.memory_space<hbm>>
      tpu.enqueue_indirect_dma source(%dma_start3A_337 : memref<10000x128xf32, #tpu.memory_space<hbm>>) target(%dma_start3A_333 : memref<40x128xf32, #tpu.memory_space<vmem>>) offsets(%dma_start3A_334 : memref<40xi32, #tpu.memory_space<vmem>>) semaphore(%arg15 : memref<!tpu.dma_semaphore, #tpu.memory_space<semaphore_mem>>)
      %mul3A_338 = arith.constant 80 : i32
      %mul3A_339 = arith.muli %add3A_321, %mul3A_338 : i32
      %add3A_340 = arith.constant 40 : i32
      %add3A_341 = arith.addi %mul3A_339, %add3A_340 : i32
      %dma_start3A_342 = arith.constant 40 : i32
      %dma_start3A_343 = arith.constant 0 : i32
      %dma_start3A_344 = tpu.memref_slice %arg11[%dma_start3A_342, %dma_start3A_343] : memref<80x128xf32, #tpu.memory_space<vmem>> -> memref<40x128xf32, #tpu.memory_space<vmem>>
      %dma_start3A_345 = tpu.memref_slice %arg9[%add3A_341] : memref<10000xi32, #tpu.memory_space<vmem>> -> memref<40xi32, #tpu.memory_space<vmem>>
      %dma_start3A_346 = arith.constant 0 : i32
      %dma_start3A_347 = arith.constant 0 : i32
      %dma_start3A_348 = tpu.memref_slice %arg2[%dma_start3A_346, %dma_start3A_347] : memref<10000x128xf32, #tpu.memory_space<hbm>> -> memref<10000x128xf32, #tpu.memory_space<hbm>>
      tpu.enqueue_indirect_dma source(%dma_start3A_348 : memref<10000x128xf32, #tpu.memory_space<hbm>>) target(%dma_start3A_344 : memref<40x128xf32, #tpu.memory_space<vmem>>) offsets(%dma_start3A_345 : memref<40xi32, #tpu.memory_space<vmem>>) semaphore(%arg17 : memref<!tpu.dma_semaphore, #tpu.memory_space<semaphore_mem>>)
      %dma_wait3A_349 = arith.constant 0 : i32
      %dma_wait3A_350 = arith.constant 0 : i32
      %dma_wait3A_351 = tpu.memref_slice %arg12[%dma_wait3A_349, %dma_wait3A_350] : memref<80x128xf32, #tpu.memory_space<vmem>> -> memref<40x128xf32, #tpu.memory_space<vmem>>
      %dma_wait3A_352 = arith.constant 0 : i32
      %dma_wait3A_353 = tpu.memref_slice %arg9[%dma_wait3A_352] : memref<10000xi32, #tpu.memory_space<vmem>> -> memref<40xi32, #tpu.memory_space<vmem>>
      %dma_wait3A_354 = arith.constant 0 : i32
      %dma_wait3A_355 = arith.constant 0 : i32
      %dma_wait3A_356 = tpu.memref_slice %arg2[%dma_wait3A_354, %dma_wait3A_355] : memref<10000x128xf32, #tpu.memory_space<hbm>> -> memref<10000x128xf32, #tpu.memory_space<hbm>>
      tpu.wait_indirect_dma semaphore(%arg16 : memref<!tpu.dma_semaphore, #tpu.memory_space<semaphore_mem>>) src(%dma_wait3A_356 : memref<10000x128xf32, #tpu.memory_space<hbm>>) dst(%dma_wait3A_351 : memref<40x128xf32, #tpu.memory_space<vmem>>)
      %dma_wait3A_357 = arith.constant 40 : i32
      %dma_wait3A_358 = arith.constant 0 : i32
      %dma_wait3A_359 = tpu.memref_slice %arg12[%dma_wait3A_357, %dma_wait3A_358] : memref<80x128xf32, #tpu.memory_space<vmem>> -> memref<40x128xf32, #tpu.memory_space<vmem>>
      %dma_wait3A_360 = arith.constant 0 : i32
      %dma_wait3A_361 = tpu.memref_slice %arg9[%dma_wait3A_360] : memref<10000xi32, #tpu.memory_space<vmem>> -> memref<40xi32, #tpu.memory_space<vmem>>
      %dma_wait3A_362 = arith.constant 0 : i32
      %dma_wait3A_363 = arith.constant 0 : i32
      %dma_wait3A_364 = tpu.memref_slice %arg2[%dma_wait3A_362, %dma_wait3A_363] : memref<10000x128xf32, #tpu.memory_space<hbm>> -> memref<10000x128xf32, #tpu.memory_space<hbm>>
      tpu.wait_indirect_dma semaphore(%arg18 : memref<!tpu.dma_semaphore, #tpu.memory_space<semaphore_mem>>) src(%dma_wait3A_364 : memref<10000x128xf32, #tpu.memory_space<hbm>>) dst(%dma_wait3A_359 : memref<40x128xf32, #tpu.memory_space<vmem>>)
      %dma_start3A_365 = arith.constant 0 : i32
      %dma_start3A_366 = tpu.memref_slice %arg10[%add3A_319, %dma_start3A_365] : memref<125x80xi32, #tpu.memory_space<vmem>> -> memref<1x80xi32, #tpu.memory_space<vmem>>
      %dma_start3A_367 = tpu.memref_squeeze %dma_start3A_366 : memref<1x80xi32, #tpu.memory_space<vmem>> -> memref<80xi32, #tpu.memory_space<vmem>>
      %dma_start3A_368 = arith.constant 0 : i32
      %dma_start3A_369 = arith.constant 0 : i32
      %dma_start3A_370 = tpu.memref_slice %arg7[%dma_start3A_368, %dma_start3A_369] : memref<10000x128xf32, #tpu.memory_space<vmem_shared>> -> memref<10000x128xf32, #tpu.memory_space<vmem_shared>>
      tpu.enqueue_indirect_dma source(%arg12 : memref<80x128xf32, #tpu.memory_space<vmem>>) target(%dma_start3A_370 : memref<10000x128xf32, #tpu.memory_space<vmem_shared>>) offsets(%dma_start3A_367 : memref<80xi32, #tpu.memory_space<vmem>>) semaphore(%arg20 : memref<!tpu.dma_semaphore, #tpu.memory_space<semaphore_mem>>) {add = true}
      %dma_start3A_371 = arith.constant 0 : i32
      %dma_start3A_372 = tpu.memref_slice %arg10[%add3A_319, %dma_start3A_371] : memref<125x80xi32, #tpu.memory_space<vmem>> -> memref<1x80xi32, #tpu.memory_space<vmem>>
      %dma_start3A_373 = tpu.memref_squeeze %dma_start3A_372 : memref<1x80xi32, #tpu.memory_space<vmem>> -> memref<80xi32, #tpu.memory_space<vmem>>
      %dma_start3A_374 = arith.constant 0 : i32
      %dma_start3A_375 = tpu.memref_slice %arg8[%dma_start3A_374] : memref<10240xf32, #tpu.memory_space<vmem_shared>> -> memref<10240xf32, #tpu.memory_space<vmem_shared>>
      tpu.enqueue_indirect_dma source(%arg13 : memref<80xf32, #tpu.memory_space<vmem>>) target(%dma_start3A_375 : memref<10240xf32, #tpu.memory_space<vmem_shared>>) offsets(%dma_start3A_373 : memref<80xi32, #tpu.memory_space<vmem>>) semaphore(%arg21 : memref<!tpu.dma_semaphore, #tpu.memory_space<semaphore_mem>>) {add = true}
      %dma_wait3A_376 = arith.constant 0 : i32
      %dma_wait3A_377 = arith.constant 0 : i32
      %dma_wait3A_378 = tpu.memref_slice %arg10[%dma_wait3A_376, %dma_wait3A_377] : memref<125x80xi32, #tpu.memory_space<vmem>> -> memref<1x80xi32, #tpu.memory_space<vmem>>
      %dma_wait3A_379 = tpu.memref_squeeze %dma_wait3A_378 : memref<1x80xi32, #tpu.memory_space<vmem>> -> memref<80xi32, #tpu.memory_space<vmem>>
      %dma_wait3A_380 = arith.constant 0 : i32
      %dma_wait3A_381 = arith.constant 0 : i32
      %dma_wait3A_382 = tpu.memref_slice %arg7[%dma_wait3A_380, %dma_wait3A_381] : memref<10000x128xf32, #tpu.memory_space<vmem_shared>> -> memref<10000x128xf32, #tpu.memory_space<vmem_shared>>
      tpu.wait_indirect_dma semaphore(%arg20 : memref<!tpu.dma_semaphore, #tpu.memory_space<semaphore_mem>>) src(%arg12 : memref<80x128xf32, #tpu.memory_space<vmem>>) dst(%dma_wait3A_382 : memref<10000x128xf32, #tpu.memory_space<vmem_shared>>)
      %add3A_383 = arith.constant 1 : i32
      %add3A_384 = arith.addi %scan3A_315, %add3A_383 : i32
      %lt3A_385 = arith.constant 62 : i32
      %lt3A_386 = arith.cmpi slt, %add3A_384, %lt3A_385 : i32
      %convert_element_type3A_387 = arith.extui %lt3A_386 : i1 to i32
      %cond3A_388 = arith.constant 0 : i32
      %cond3A_389 = arith.cmpi ne, %convert_element_type3A_387, %cond3A_388 : i32
      scf.if %cond3A_389 {
        %add3A_417 = arith.constant 1 : i32
        %add3A_418 = arith.addi %add3A_321, %add3A_417 : i32
        %mul3A_419 = arith.constant 80 : i32
        %mul3A_420 = arith.muli %add3A_418, %mul3A_419 : i32
        %dma_start3A_421 = arith.constant 0 : i32
        %dma_start3A_422 = arith.constant 0 : i32
        %dma_start3A_423 = tpu.memref_slice %arg12[%dma_start3A_421, %dma_start3A_422] : memref<80x128xf32, #tpu.memory_space<vmem>> -> memref<40x128xf32, #tpu.memory_space<vmem>>
        %dma_start3A_424 = tpu.memref_slice %arg9[%mul3A_420] : memref<10000xi32, #tpu.memory_space<vmem>> -> memref<40xi32, #tpu.memory_space<vmem>>
        %dma_start3A_425 = arith.constant 0 : i32
        %dma_start3A_426 = arith.constant 0 : i32
        %dma_start3A_427 = tpu.memref_slice %arg2[%dma_start3A_425, %dma_start3A_426] : memref<10000x128xf32, #tpu.memory_space<hbm>> -> memref<10000x128xf32, #tpu.memory_space<hbm>>
        tpu.enqueue_indirect_dma source(%dma_start3A_427 : memref<10000x128xf32, #tpu.memory_space<hbm>>) target(%dma_start3A_423 : memref<40x128xf32, #tpu.memory_space<vmem>>) offsets(%dma_start3A_424 : memref<40xi32, #tpu.memory_space<vmem>>) semaphore(%arg16 : memref<!tpu.dma_semaphore, #tpu.memory_space<semaphore_mem>>)
        %mul3A_428 = arith.constant 80 : i32
        %mul3A_429 = arith.muli %add3A_418, %mul3A_428 : i32
        %add3A_430 = arith.constant 40 : i32
        %add3A_431 = arith.addi %mul3A_429, %add3A_430 : i32
        %dma_start3A_432 = arith.constant 40 : i32
        %dma_start3A_433 = arith.constant 0 : i32
        %dma_start3A_434 = tpu.memref_slice %arg12[%dma_start3A_432, %dma_start3A_433] : memref<80x128xf32, #tpu.memory_space<vmem>> -> memref<40x128xf32, #tpu.memory_space<vmem>>
        %dma_start3A_435 = tpu.memref_slice %arg9[%add3A_431] : memref<10000xi32, #tpu.memory_space<vmem>> -> memref<40xi32, #tpu.memory_space<vmem>>
        %dma_start3A_436 = arith.constant 0 : i32
        %dma_start3A_437 = arith.constant 0 : i32
        %dma_start3A_438 = tpu.memref_slice %arg2[%dma_start3A_436, %dma_start3A_437] : memref<10000x128xf32, #tpu.memory_space<hbm>> -> memref<10000x128xf32, #tpu.memory_space<hbm>>
        tpu.enqueue_indirect_dma source(%dma_start3A_438 : memref<10000x128xf32, #tpu.memory_space<hbm>>) target(%dma_start3A_434 : memref<40x128xf32, #tpu.memory_space<vmem>>) offsets(%dma_start3A_435 : memref<40xi32, #tpu.memory_space<vmem>>) semaphore(%arg18 : memref<!tpu.dma_semaphore, #tpu.memory_space<semaphore_mem>>)
      } else {
      }
      %dma_wait3A_390 = arith.constant 0 : i32
      %dma_wait3A_391 = arith.constant 0 : i32
      %dma_wait3A_392 = tpu.memref_slice %arg11[%dma_wait3A_390, %dma_wait3A_391] : memref<80x128xf32, #tpu.memory_space<vmem>> -> memref<40x128xf32, #tpu.memory_space<vmem>>
      %dma_wait3A_393 = arith.constant 0 : i32
      %dma_wait3A_394 = tpu.memref_slice %arg9[%dma_wait3A_393] : memref<10000xi32, #tpu.memory_space<vmem>> -> memref<40xi32, #tpu.memory_space<vmem>>
      %dma_wait3A_395 = arith.constant 0 : i32
      %dma_wait3A_396 = arith.constant 0 : i32
      %dma_wait3A_397 = tpu.memref_slice %arg2[%dma_wait3A_395, %dma_wait3A_396] : memref<10000x128xf32, #tpu.memory_space<hbm>> -> memref<10000x128xf32, #tpu.memory_space<hbm>>
      tpu.wait_indirect_dma semaphore(%arg15 : memref<!tpu.dma_semaphore, #tpu.memory_space<semaphore_mem>>) src(%dma_wait3A_397 : memref<10000x128xf32, #tpu.memory_space<hbm>>) dst(%dma_wait3A_392 : memref<40x128xf32, #tpu.memory_space<vmem>>)
      %dma_wait3A_398 = arith.constant 40 : i32
      %dma_wait3A_399 = arith.constant 0 : i32
      %dma_wait3A_400 = tpu.memref_slice %arg11[%dma_wait3A_398, %dma_wait3A_399] : memref<80x128xf32, #tpu.memory_space<vmem>> -> memref<40x128xf32, #tpu.memory_space<vmem>>
      %dma_wait3A_401 = arith.constant 0 : i32
      %dma_wait3A_402 = tpu.memref_slice %arg9[%dma_wait3A_401] : memref<10000xi32, #tpu.memory_space<vmem>> -> memref<40xi32, #tpu.memory_space<vmem>>
      %dma_wait3A_403 = arith.constant 0 : i32
      %dma_wait3A_404 = arith.constant 0 : i32
      %dma_wait3A_405 = tpu.memref_slice %arg2[%dma_wait3A_403, %dma_wait3A_404] : memref<10000x128xf32, #tpu.memory_space<hbm>> -> memref<10000x128xf32, #tpu.memory_space<hbm>>
      tpu.wait_indirect_dma semaphore(%arg17 : memref<!tpu.dma_semaphore, #tpu.memory_space<semaphore_mem>>) src(%dma_wait3A_405 : memref<10000x128xf32, #tpu.memory_space<hbm>>) dst(%dma_wait3A_400 : memref<40x128xf32, #tpu.memory_space<vmem>>)
      %dma_start3A_406 = arith.constant 0 : i32
      %dma_start3A_407 = tpu.memref_slice %arg10[%add3A_321, %dma_start3A_406] : memref<125x80xi32, #tpu.memory_space<vmem>> -> memref<1x80xi32, #tpu.memory_space<vmem>>
      %dma_start3A_408 = tpu.memref_squeeze %dma_start3A_407 : memref<1x80xi32, #tpu.memory_space<vmem>> -> memref<80xi32, #tpu.memory_space<vmem>>
      %dma_start3A_409 = arith.constant 0 : i32
      %dma_start3A_410 = arith.constant 0 : i32
      %dma_start3A_411 = tpu.memref_slice %arg7[%dma_start3A_409, %dma_start3A_410] : memref<10000x128xf32, #tpu.memory_space<vmem_shared>> -> memref<10000x128xf32, #tpu.memory_space<vmem_shared>>
      tpu.enqueue_indirect_dma source(%arg11 : memref<80x128xf32, #tpu.memory_space<vmem>>) target(%dma_start3A_411 : memref<10000x128xf32, #tpu.memory_space<vmem_shared>>) offsets(%dma_start3A_408 : memref<80xi32, #tpu.memory_space<vmem>>) semaphore(%arg19 : memref<!tpu.dma_semaphore, #tpu.memory_space<semaphore_mem>>) {add = true}
      %dma_start3A_412 = arith.constant 0 : i32
      %dma_start3A_413 = tpu.memref_slice %arg10[%add3A_321, %dma_start3A_412] : memref<125x80xi32, #tpu.memory_space<vmem>> -> memref<1x80xi32, #tpu.memory_space<vmem>>
      %dma_start3A_414 = tpu.memref_squeeze %dma_start3A_413 : memref<1x80xi32, #tpu.memory_space<vmem>> -> memref<80xi32, #tpu.memory_space<vmem>>
      %dma_start3A_415 = arith.constant 0 : i32
      %dma_start3A_416 = tpu.memref_slice %arg8[%dma_start3A_415] : memref<10240xf32, #tpu.memory_space<vmem_shared>> -> memref<10240xf32, #tpu.memory_space<vmem_shared>>
      tpu.enqueue_indirect_dma source(%arg13 : memref<80xf32, #tpu.memory_space<vmem>>) target(%dma_start3A_416 : memref<10240xf32, #tpu.memory_space<vmem_shared>>) offsets(%dma_start3A_414 : memref<80xi32, #tpu.memory_space<vmem>>) semaphore(%arg21 : memref<!tpu.dma_semaphore, #tpu.memory_space<semaphore_mem>>) {add = true}
    }
    %scan3A_170 = arith.constant 62 : i32
    %dma_wait3A_171 = arith.constant 0 : i32
    %dma_wait3A_172 = arith.constant 0 : i32
    %dma_wait3A_173 = tpu.memref_slice %arg10[%dma_wait3A_171, %dma_wait3A_172] : memref<125x80xi32, #tpu.memory_space<vmem>> -> memref<1x80xi32, #tpu.memory_space<vmem>>
    %dma_wait3A_174 = tpu.memref_squeeze %dma_wait3A_173 : memref<1x80xi32, #tpu.memory_space<vmem>> -> memref<80xi32, #tpu.memory_space<vmem>>
    %dma_wait3A_175 = arith.constant 0 : i32
    %dma_wait3A_176 = arith.constant 0 : i32
    %dma_wait3A_177 = tpu.memref_slice %arg7[%dma_wait3A_175, %dma_wait3A_176] : memref<10000x128xf32, #tpu.memory_space<vmem_shared>> -> memref<10000x128xf32, #tpu.memory_space<vmem_shared>>
    tpu.wait_indirect_dma semaphore(%arg19 : memref<!tpu.dma_semaphore, #tpu.memory_space<semaphore_mem>>) src(%arg11 : memref<80x128xf32, #tpu.memory_space<vmem>>) dst(%dma_wait3A_177 : memref<10000x128xf32, #tpu.memory_space<vmem_shared>>)
    %scan3A_178 = arith.constant 0 : i32
    %scan3A_179 = arith.constant 0 : i32
    %scan3A_180 = arith.constant 125 : i32
    %scan3A_181 = arith.addi %scan3A_179, %scan3A_180 : i32
    %scan3A_182 = arith.constant 1 : i32
    scf.for %scan3A_315 = %scan3A_179 to %scan3A_181 step %scan3A_182  : i32 {
      %dma_wait3A_316 = arith.constant 0 : i32
      %dma_wait3A_317 = arith.constant 0 : i32
      %dma_wait3A_318 = tpu.memref_slice %arg10[%dma_wait3A_316, %dma_wait3A_317] : memref<125x80xi32, #tpu.memory_space<vmem>> -> memref<1x80xi32, #tpu.memory_space<vmem>>
      %dma_wait3A_319 = tpu.memref_squeeze %dma_wait3A_318 : memref<1x80xi32, #tpu.memory_space<vmem>> -> memref<80xi32, #tpu.memory_space<vmem>>
      %dma_wait3A_320 = arith.constant 0 : i32
      %dma_wait3A_321 = tpu.memref_slice %arg8[%dma_wait3A_320] : memref<10240xf32, #tpu.memory_space<vmem_shared>> -> memref<10240xf32, #tpu.memory_space<vmem_shared>>
      tpu.wait_indirect_dma semaphore(%arg21 : memref<!tpu.dma_semaphore, #tpu.memory_space<semaphore_mem>>) src(%arg13 : memref<80xf32, #tpu.memory_space<vmem>>) dst(%dma_wait3A_321 : memref<10240xf32, #tpu.memory_space<vmem_shared>>)
    }
    %scan3A_183 = arith.constant 125 : i32
    %barrier3A_184 = arith.constant 0 : index
    tpu.barrier barrier_id(%barrier3A_184)
    %add3A_185 = arith.constant 0 : i32
    %add3A_186 = arith.addi %arg1, %add3A_185 : i32
    %lt3A_187 = arith.constant 125 : i32
    %lt3A_188 = arith.cmpi slt, %add3A_186, %lt3A_187 : i32
    %convert_element_type3A_189 = arith.extui %lt3A_188 : i1 to i32
    %cond3A_190 = arith.constant 0 : i32
    %cond3A_191 = arith.cmpi ne, %convert_element_type3A_189, %cond3A_190 : i32
    scf.if %cond3A_191 {
      %mul3A_315 = arith.constant 80 : i32
      %mul3A_316 = arith.muli %add3A_186, %mul3A_315 : i32
      %mul3A_317 = arith.constant 10000 : i32
      %mul3A_318 = arith.muli %arg0, %mul3A_317 : i32
      %mul3A_319 = arith.constant 80 : i32
      %mul3A_320 = arith.muli %add3A_186, %mul3A_319 : i32
      %add3A_321 = arith.addi %mul3A_318, %mul3A_320 : i32
      %dma_start3A_322 = arith.constant 0 : i32
      %dma_start3A_323 = tpu.memref_slice %arg5[%add3A_321, %dma_start3A_322] : memref<20000x128xf32, #tpu.memory_space<hbm>> -> memref<80x128xf32, #tpu.memory_space<hbm>>
      %dma_start3A_324 = arith.constant 0 : i32
      %dma_start3A_325 = tpu.memref_slice %arg7[%mul3A_316, %dma_start3A_324] : memref<10000x128xf32, #tpu.memory_space<vmem_shared>> -> memref<80x128xf32, #tpu.memory_space<vmem_shared>>
      tpu.enqueue_dma source(%dma_start3A_325 : memref<80x128xf32, #tpu.memory_space<vmem_shared>>) target(%dma_start3A_323 : memref<80x128xf32, #tpu.memory_space<hbm>>) target_semaphore(%arg15 : memref<!tpu.dma_semaphore, #tpu.memory_space<semaphore_mem>>)
    } else {
    }
    %add3A_192 = arith.constant 16 : i32
    %add3A_193 = arith.addi %arg1, %add3A_192 : i32
    %lt3A_194 = arith.constant 125 : i32
    %lt3A_195 = arith.cmpi slt, %add3A_193, %lt3A_194 : i32
    %convert_element_type3A_196 = arith.extui %lt3A_195 : i1 to i32
    %cond3A_197 = arith.constant 0 : i32
    %cond3A_198 = arith.cmpi ne, %convert_element_type3A_196, %cond3A_197 : i32
    scf.if %cond3A_198 {
      %mul3A_315 = arith.constant 80 : i32
      %mul3A_316 = arith.muli %add3A_193, %mul3A_315 : i32
      %mul3A_317 = arith.constant 10000 : i32
      %mul3A_318 = arith.muli %arg0, %mul3A_317 : i32
      %mul3A_319 = arith.constant 80 : i32
      %mul3A_320 = arith.muli %add3A_193, %mul3A_319 : i32
      %add3A_321 = arith.addi %mul3A_318, %mul3A_320 : i32
      %dma_start3A_322 = arith.constant 0 : i32
      %dma_start3A_323 = tpu.memref_slice %arg5[%add3A_321, %dma_start3A_322] : memref<20000x128xf32, #tpu.memory_space<hbm>> -> memref<80x128xf32, #tpu.memory_space<hbm>>
      %dma_start3A_324 = arith.constant 0 : i32
      %dma_start3A_325 = tpu.memref_slice %arg7[%mul3A_316, %dma_start3A_324] : memref<10000x128xf32, #tpu.memory_space<vmem_shared>> -> memref<80x128xf32, #tpu.memory_space<vmem_shared>>
      tpu.enqueue_dma source(%dma_start3A_325 : memref<80x128xf32, #tpu.memory_space<vmem_shared>>) target(%dma_start3A_323 : memref<80x128xf32, #tpu.memory_space<hbm>>) target_semaphore(%arg15 : memref<!tpu.dma_semaphore, #tpu.memory_space<semaphore_mem>>)
    } else {
    }
    %add3A_199 = arith.constant 32 : i32
    %add3A_200 = arith.addi %arg1, %add3A_199 : i32
    %lt3A_201 = arith.constant 125 : i32
    %lt3A_202 = arith.cmpi slt, %add3A_200, %lt3A_201 : i32
    %convert_element_type3A_203 = arith.extui %lt3A_202 : i1 to i32
    %cond3A_204 = arith.constant 0 : i32
    %cond3A_205 = arith.cmpi ne, %convert_element_type3A_203, %cond3A_204 : i32
    scf.if %cond3A_205 {
      %mul3A_315 = arith.constant 80 : i32
      %mul3A_316 = arith.muli %add3A_200, %mul3A_315 : i32
      %mul3A_317 = arith.constant 10000 : i32
      %mul3A_318 = arith.muli %arg0, %mul3A_317 : i32
      %mul3A_319 = arith.constant 80 : i32
      %mul3A_320 = arith.muli %add3A_200, %mul3A_319 : i32
      %add3A_321 = arith.addi %mul3A_318, %mul3A_320 : i32
      %dma_start3A_322 = arith.constant 0 : i32
      %dma_start3A_323 = tpu.memref_slice %arg5[%add3A_321, %dma_start3A_322] : memref<20000x128xf32, #tpu.memory_space<hbm>> -> memref<80x128xf32, #tpu.memory_space<hbm>>
      %dma_start3A_324 = arith.constant 0 : i32
      %dma_start3A_325 = tpu.memref_slice %arg7[%mul3A_316, %dma_start3A_324] : memref<10000x128xf32, #tpu.memory_space<vmem_shared>> -> memref<80x128xf32, #tpu.memory_space<vmem_shared>>
      tpu.enqueue_dma source(%dma_start3A_325 : memref<80x128xf32, #tpu.memory_space<vmem_shared>>) target(%dma_start3A_323 : memref<80x128xf32, #tpu.memory_space<hbm>>) target_semaphore(%arg15 : memref<!tpu.dma_semaphore, #tpu.memory_space<semaphore_mem>>)
    } else {
    }
    %add3A_206 = arith.constant 48 : i32
    %add3A_207 = arith.addi %arg1, %add3A_206 : i32
    %lt3A_208 = arith.constant 125 : i32
    %lt3A_209 = arith.cmpi slt, %add3A_207, %lt3A_208 : i32
    %convert_element_type3A_210 = arith.extui %lt3A_209 : i1 to i32
    %cond3A_211 = arith.constant 0 : i32
    %cond3A_212 = arith.cmpi ne, %convert_element_type3A_210, %cond3A_211 : i32
    scf.if %cond3A_212 {
      %mul3A_315 = arith.constant 80 : i32
      %mul3A_316 = arith.muli %add3A_207, %mul3A_315 : i32
      %mul3A_317 = arith.constant 10000 : i32
      %mul3A_318 = arith.muli %arg0, %mul3A_317 : i32
      %mul3A_319 = arith.constant 80 : i32
      %mul3A_320 = arith.muli %add3A_207, %mul3A_319 : i32
      %add3A_321 = arith.addi %mul3A_318, %mul3A_320 : i32
      %dma_start3A_322 = arith.constant 0 : i32
      %dma_start3A_323 = tpu.memref_slice %arg5[%add3A_321, %dma_start3A_322] : memref<20000x128xf32, #tpu.memory_space<hbm>> -> memref<80x128xf32, #tpu.memory_space<hbm>>
      %dma_start3A_324 = arith.constant 0 : i32
      %dma_start3A_325 = tpu.memref_slice %arg7[%mul3A_316, %dma_start3A_324] : memref<10000x128xf32, #tpu.memory_space<vmem_shared>> -> memref<80x128xf32, #tpu.memory_space<vmem_shared>>
      tpu.enqueue_dma source(%dma_start3A_325 : memref<80x128xf32, #tpu.memory_space<vmem_shared>>) target(%dma_start3A_323 : memref<80x128xf32, #tpu.memory_space<hbm>>) target_semaphore(%arg15 : memref<!tpu.dma_semaphore, #tpu.memory_space<semaphore_mem>>)
    } else {
    }
    %add3A_213 = arith.constant 64 : i32
    %add3A_214 = arith.addi %arg1, %add3A_213 : i32
    %lt3A_215 = arith.constant 125 : i32
    %lt3A_216 = arith.cmpi slt, %add3A_214, %lt3A_215 : i32
    %convert_element_type3A_217 = arith.extui %lt3A_216 : i1 to i32
    %cond3A_218 = arith.constant 0 : i32
    %cond3A_219 = arith.cmpi ne, %convert_element_type3A_217, %cond3A_218 : i32
    scf.if %cond3A_219 {
      %mul3A_315 = arith.constant 80 : i32
      %mul3A_316 = arith.muli %add3A_214, %mul3A_315 : i32
      %mul3A_317 = arith.constant 10000 : i32
      %mul3A_318 = arith.muli %arg0, %mul3A_317 : i32
      %mul3A_319 = arith.constant 80 : i32
      %mul3A_320 = arith.muli %add3A_214, %mul3A_319 : i32
      %add3A_321 = arith.addi %mul3A_318, %mul3A_320 : i32
      %dma_start3A_322 = arith.constant 0 : i32
      %dma_start3A_323 = tpu.memref_slice %arg5[%add3A_321, %dma_start3A_322] : memref<20000x128xf32, #tpu.memory_space<hbm>> -> memref<80x128xf32, #tpu.memory_space<hbm>>
      %dma_start3A_324 = arith.constant 0 : i32
      %dma_start3A_325 = tpu.memref_slice %arg7[%mul3A_316, %dma_start3A_324] : memref<10000x128xf32, #tpu.memory_space<vmem_shared>> -> memref<80x128xf32, #tpu.memory_space<vmem_shared>>
      tpu.enqueue_dma source(%dma_start3A_325 : memref<80x128xf32, #tpu.memory_space<vmem_shared>>) target(%dma_start3A_323 : memref<80x128xf32, #tpu.memory_space<hbm>>) target_semaphore(%arg15 : memref<!tpu.dma_semaphore, #tpu.memory_space<semaphore_mem>>)
    } else {
    }
    %add3A_220 = arith.constant 80 : i32
    %add3A_221 = arith.addi %arg1, %add3A_220 : i32
    %lt3A_222 = arith.constant 125 : i32
    %lt3A_223 = arith.cmpi slt, %add3A_221, %lt3A_222 : i32
    %convert_element_type3A_224 = arith.extui %lt3A_223 : i1 to i32
    %cond3A_225 = arith.constant 0 : i32
    %cond3A_226 = arith.cmpi ne, %convert_element_type3A_224, %cond3A_225 : i32
    scf.if %cond3A_226 {
      %mul3A_315 = arith.constant 80 : i32
      %mul3A_316 = arith.muli %add3A_221, %mul3A_315 : i32
      %mul3A_317 = arith.constant 10000 : i32
      %mul3A_318 = arith.muli %arg0, %mul3A_317 : i32
      %mul3A_319 = arith.constant 80 : i32
      %mul3A_320 = arith.muli %add3A_221, %mul3A_319 : i32
      %add3A_321 = arith.addi %mul3A_318, %mul3A_320 : i32
      %dma_start3A_322 = arith.constant 0 : i32
      %dma_start3A_323 = tpu.memref_slice %arg5[%add3A_321, %dma_start3A_322] : memref<20000x128xf32, #tpu.memory_space<hbm>> -> memref<80x128xf32, #tpu.memory_space<hbm>>
      %dma_start3A_324 = arith.constant 0 : i32
      %dma_start3A_325 = tpu.memref_slice %arg7[%mul3A_316, %dma_start3A_324] : memref<10000x128xf32, #tpu.memory_space<vmem_shared>> -> memref<80x128xf32, #tpu.memory_space<vmem_shared>>
      tpu.enqueue_dma source(%dma_start3A_325 : memref<80x128xf32, #tpu.memory_space<vmem_shared>>) target(%dma_start3A_323 : memref<80x128xf32, #tpu.memory_space<hbm>>) target_semaphore(%arg15 : memref<!tpu.dma_semaphore, #tpu.memory_space<semaphore_mem>>)
    } else {
    }
    %add3A_227 = arith.constant 96 : i32
    %add3A_228 = arith.addi %arg1, %add3A_227 : i32
    %lt3A_229 = arith.constant 125 : i32
    %lt3A_230 = arith.cmpi slt, %add3A_228, %lt3A_229 : i32
    %convert_element_type3A_231 = arith.extui %lt3A_230 : i1 to i32
    %cond3A_232 = arith.constant 0 : i32
    %cond3A_233 = arith.cmpi ne, %convert_element_type3A_231, %cond3A_232 : i32
    scf.if %cond3A_233 {
      %mul3A_315 = arith.constant 80 : i32
      %mul3A_316 = arith.muli %add3A_228, %mul3A_315 : i32
      %mul3A_317 = arith.constant 10000 : i32
      %mul3A_318 = arith.muli %arg0, %mul3A_317 : i32
      %mul3A_319 = arith.constant 80 : i32
      %mul3A_320 = arith.muli %add3A_228, %mul3A_319 : i32
      %add3A_321 = arith.addi %mul3A_318, %mul3A_320 : i32
      %dma_start3A_322 = arith.constant 0 : i32
      %dma_start3A_323 = tpu.memref_slice %arg5[%add3A_321, %dma_start3A_322] : memref<20000x128xf32, #tpu.memory_space<hbm>> -> memref<80x128xf32, #tpu.memory_space<hbm>>
      %dma_start3A_324 = arith.constant 0 : i32
      %dma_start3A_325 = tpu.memref_slice %arg7[%mul3A_316, %dma_start3A_324] : memref<10000x128xf32, #tpu.memory_space<vmem_shared>> -> memref<80x128xf32, #tpu.memory_space<vmem_shared>>
      tpu.enqueue_dma source(%dma_start3A_325 : memref<80x128xf32, #tpu.memory_space<vmem_shared>>) target(%dma_start3A_323 : memref<80x128xf32, #tpu.memory_space<hbm>>) target_semaphore(%arg15 : memref<!tpu.dma_semaphore, #tpu.memory_space<semaphore_mem>>)
    } else {
    }
    %add3A_234 = arith.constant 112 : i32
    %add3A_235 = arith.addi %arg1, %add3A_234 : i32
    %lt3A_236 = arith.constant 125 : i32
    %lt3A_237 = arith.cmpi slt, %add3A_235, %lt3A_236 : i32
    %convert_element_type3A_238 = arith.extui %lt3A_237 : i1 to i32
    %cond3A_239 = arith.constant 0 : i32
    %cond3A_240 = arith.cmpi ne, %convert_element_type3A_238, %cond3A_239 : i32
    scf.if %cond3A_240 {
      %mul3A_315 = arith.constant 80 : i32
      %mul3A_316 = arith.muli %add3A_235, %mul3A_315 : i32
      %mul3A_317 = arith.constant 10000 : i32
      %mul3A_318 = arith.muli %arg0, %mul3A_317 : i32
      %mul3A_319 = arith.constant 80 : i32
      %mul3A_320 = arith.muli %add3A_235, %mul3A_319 : i32
      %add3A_321 = arith.addi %mul3A_318, %mul3A_320 : i32
      %dma_start3A_322 = arith.constant 0 : i32
      %dma_start3A_323 = tpu.memref_slice %arg5[%add3A_321, %dma_start3A_322] : memref<20000x128xf32, #tpu.memory_space<hbm>> -> memref<80x128xf32, #tpu.memory_space<hbm>>
      %dma_start3A_324 = arith.constant 0 : i32
      %dma_start3A_325 = tpu.memref_slice %arg7[%mul3A_316, %dma_start3A_324] : memref<10000x128xf32, #tpu.memory_space<vmem_shared>> -> memref<80x128xf32, #tpu.memory_space<vmem_shared>>
      tpu.enqueue_dma source(%dma_start3A_325 : memref<80x128xf32, #tpu.memory_space<vmem_shared>>) target(%dma_start3A_323 : memref<80x128xf32, #tpu.memory_space<hbm>>) target_semaphore(%arg15 : memref<!tpu.dma_semaphore, #tpu.memory_space<semaphore_mem>>)
    } else {
    }
    %mul3A_241 = arith.constant 640 : i32
    %mul3A_242 = arith.muli %arg1, %mul3A_241 : i32
    %mul3A_243 = arith.constant 10240 : i32
    %mul3A_244 = arith.muli %arg0, %mul3A_243 : i32
    %mul3A_245 = arith.constant 640 : i32
    %mul3A_246 = arith.muli %arg1, %mul3A_245 : i32
    %add3A_247 = arith.addi %mul3A_244, %mul3A_246 : i32
    %dma_start3A_248 = tpu.memref_slice %arg6[%add3A_247] : memref<20480xf32, #tpu.memory_space<hbm>> -> memref<640xf32, #tpu.memory_space<hbm>>
    %dma_start3A_249 = tpu.memref_slice %arg8[%mul3A_242] : memref<10240xf32, #tpu.memory_space<vmem_shared>> -> memref<640xf32, #tpu.memory_space<vmem_shared>>
    tpu.enqueue_dma source(%dma_start3A_249 : memref<640xf32, #tpu.memory_space<vmem_shared>>) target(%dma_start3A_248 : memref<640xf32, #tpu.memory_space<hbm>>) target_semaphore(%arg16 : memref<!tpu.dma_semaphore, #tpu.memory_space<semaphore_mem>>)
    %add3A_250 = arith.constant 0 : i32
    %add3A_251 = arith.addi %arg1, %add3A_250 : i32
    %lt3A_252 = arith.constant 125 : i32
    %lt3A_253 = arith.cmpi slt, %add3A_251, %lt3A_252 : i32
    %convert_element_type3A_254 = arith.extui %lt3A_253 : i1 to i32
    %cond3A_255 = arith.constant 0 : i32
    %cond3A_256 = arith.cmpi ne, %convert_element_type3A_254, %cond3A_255 : i32
    scf.if %cond3A_256 {
      %mul3A_315 = arith.constant 80 : i32
      %mul3A_316 = arith.muli %add3A_251, %mul3A_315 : i32
      %mul3A_317 = arith.constant 10000 : i32
      %mul3A_318 = arith.muli %arg0, %mul3A_317 : i32
      %mul3A_319 = arith.constant 80 : i32
      %mul3A_320 = arith.muli %add3A_251, %mul3A_319 : i32
      %add3A_321 = arith.addi %mul3A_318, %mul3A_320 : i32
      %dma_wait3A_322 = arith.constant 0 : i32
      %dma_wait3A_323 = tpu.memref_slice %arg5[%add3A_321, %dma_wait3A_322] : memref<20000x128xf32, #tpu.memory_space<hbm>> -> memref<80x128xf32, #tpu.memory_space<hbm>>
      %dma_wait3A_324 = arith.constant 0 : i32
      %dma_wait3A_325 = tpu.memref_slice %arg7[%mul3A_316, %dma_wait3A_324] : memref<10000x128xf32, #tpu.memory_space<vmem_shared>> -> memref<80x128xf32, #tpu.memory_space<vmem_shared>>
      tpu.wait_dma2 semaphore(%arg15 : memref<!tpu.dma_semaphore, #tpu.memory_space<semaphore_mem>>) src(%dma_wait3A_325 : memref<80x128xf32, #tpu.memory_space<vmem_shared>>) dst(%dma_wait3A_323 : memref<80x128xf32, #tpu.memory_space<hbm>>)
    } else {
    }
    %add3A_257 = arith.constant 16 : i32
    %add3A_258 = arith.addi %arg1, %add3A_257 : i32
    %lt3A_259 = arith.constant 125 : i32
    %lt3A_260 = arith.cmpi slt, %add3A_258, %lt3A_259 : i32
    %convert_element_type3A_261 = arith.extui %lt3A_260 : i1 to i32
    %cond3A_262 = arith.constant 0 : i32
    %cond3A_263 = arith.cmpi ne, %convert_element_type3A_261, %cond3A_262 : i32
    scf.if %cond3A_263 {
      %mul3A_315 = arith.constant 80 : i32
      %mul3A_316 = arith.muli %add3A_258, %mul3A_315 : i32
      %mul3A_317 = arith.constant 10000 : i32
      %mul3A_318 = arith.muli %arg0, %mul3A_317 : i32
      %mul3A_319 = arith.constant 80 : i32
      %mul3A_320 = arith.muli %add3A_258, %mul3A_319 : i32
      %add3A_321 = arith.addi %mul3A_318, %mul3A_320 : i32
      %dma_wait3A_322 = arith.constant 0 : i32
      %dma_wait3A_323 = tpu.memref_slice %arg5[%add3A_321, %dma_wait3A_322] : memref<20000x128xf32, #tpu.memory_space<hbm>> -> memref<80x128xf32, #tpu.memory_space<hbm>>
      %dma_wait3A_324 = arith.constant 0 : i32
      %dma_wait3A_325 = tpu.memref_slice %arg7[%mul3A_316, %dma_wait3A_324] : memref<10000x128xf32, #tpu.memory_space<vmem_shared>> -> memref<80x128xf32, #tpu.memory_space<vmem_shared>>
      tpu.wait_dma2 semaphore(%arg15 : memref<!tpu.dma_semaphore, #tpu.memory_space<semaphore_mem>>) src(%dma_wait3A_325 : memref<80x128xf32, #tpu.memory_space<vmem_shared>>) dst(%dma_wait3A_323 : memref<80x128xf32, #tpu.memory_space<hbm>>)
    } else {
    }
    %add3A_264 = arith.constant 32 : i32
    %add3A_265 = arith.addi %arg1, %add3A_264 : i32
    %lt3A_266 = arith.constant 125 : i32
    %lt3A_267 = arith.cmpi slt, %add3A_265, %lt3A_266 : i32
    %convert_element_type3A_268 = arith.extui %lt3A_267 : i1 to i32
    %cond3A_269 = arith.constant 0 : i32
    %cond3A_270 = arith.cmpi ne, %convert_element_type3A_268, %cond3A_269 : i32
    scf.if %cond3A_270 {
      %mul3A_315 = arith.constant 80 : i32
      %mul3A_316 = arith.muli %add3A_265, %mul3A_315 : i32
      %mul3A_317 = arith.constant 10000 : i32
      %mul3A_318 = arith.muli %arg0, %mul3A_317 : i32
      %mul3A_319 = arith.constant 80 : i32
      %mul3A_320 = arith.muli %add3A_265, %mul3A_319 : i32
      %add3A_321 = arith.addi %mul3A_318, %mul3A_320 : i32
      %dma_wait3A_322 = arith.constant 0 : i32
      %dma_wait3A_323 = tpu.memref_slice %arg5[%add3A_321, %dma_wait3A_322] : memref<20000x128xf32, #tpu.memory_space<hbm>> -> memref<80x128xf32, #tpu.memory_space<hbm>>
      %dma_wait3A_324 = arith.constant 0 : i32
      %dma_wait3A_325 = tpu.memref_slice %arg7[%mul3A_316, %dma_wait3A_324] : memref<10000x128xf32, #tpu.memory_space<vmem_shared>> -> memref<80x128xf32, #tpu.memory_space<vmem_shared>>
      tpu.wait_dma2 semaphore(%arg15 : memref<!tpu.dma_semaphore, #tpu.memory_space<semaphore_mem>>) src(%dma_wait3A_325 : memref<80x128xf32, #tpu.memory_space<vmem_shared>>) dst(%dma_wait3A_323 : memref<80x128xf32, #tpu.memory_space<hbm>>)
    } else {
    }
    %add3A_271 = arith.constant 48 : i32
    %add3A_272 = arith.addi %arg1, %add3A_271 : i32
    %lt3A_273 = arith.constant 125 : i32
    %lt3A_274 = arith.cmpi slt, %add3A_272, %lt3A_273 : i32
    %convert_element_type3A_275 = arith.extui %lt3A_274 : i1 to i32
    %cond3A_276 = arith.constant 0 : i32
    %cond3A_277 = arith.cmpi ne, %convert_element_type3A_275, %cond3A_276 : i32
    scf.if %cond3A_277 {
      %mul3A_315 = arith.constant 80 : i32
      %mul3A_316 = arith.muli %add3A_272, %mul3A_315 : i32
      %mul3A_317 = arith.constant 10000 : i32
      %mul3A_318 = arith.muli %arg0, %mul3A_317 : i32
      %mul3A_319 = arith.constant 80 : i32
      %mul3A_320 = arith.muli %add3A_272, %mul3A_319 : i32
      %add3A_321 = arith.addi %mul3A_318, %mul3A_320 : i32
      %dma_wait3A_322 = arith.constant 0 : i32
      %dma_wait3A_323 = tpu.memref_slice %arg5[%add3A_321, %dma_wait3A_322] : memref<20000x128xf32, #tpu.memory_space<hbm>> -> memref<80x128xf32, #tpu.memory_space<hbm>>
      %dma_wait3A_324 = arith.constant 0 : i32
      %dma_wait3A_325 = tpu.memref_slice %arg7[%mul3A_316, %dma_wait3A_324] : memref<10000x128xf32, #tpu.memory_space<vmem_shared>> -> memref<80x128xf32, #tpu.memory_space<vmem_shared>>
      tpu.wait_dma2 semaphore(%arg15 : memref<!tpu.dma_semaphore, #tpu.memory_space<semaphore_mem>>) src(%dma_wait3A_325 : memref<80x128xf32, #tpu.memory_space<vmem_shared>>) dst(%dma_wait3A_323 : memref<80x128xf32, #tpu.memory_space<hbm>>)
    } else {
    }
    %add3A_278 = arith.constant 64 : i32
    %add3A_279 = arith.addi %arg1, %add3A_278 : i32
    %lt3A_280 = arith.constant 125 : i32
    %lt3A_281 = arith.cmpi slt, %add3A_279, %lt3A_280 : i32
    %convert_element_type3A_282 = arith.extui %lt3A_281 : i1 to i32
    %cond3A_283 = arith.constant 0 : i32
    %cond3A_284 = arith.cmpi ne, %convert_element_type3A_282, %cond3A_283 : i32
    scf.if %cond3A_284 {
      %mul3A_315 = arith.constant 80 : i32
      %mul3A_316 = arith.muli %add3A_279, %mul3A_315 : i32
      %mul3A_317 = arith.constant 10000 : i32
      %mul3A_318 = arith.muli %arg0, %mul3A_317 : i32
      %mul3A_319 = arith.constant 80 : i32
      %mul3A_320 = arith.muli %add3A_279, %mul3A_319 : i32
      %add3A_321 = arith.addi %mul3A_318, %mul3A_320 : i32
      %dma_wait3A_322 = arith.constant 0 : i32
      %dma_wait3A_323 = tpu.memref_slice %arg5[%add3A_321, %dma_wait3A_322] : memref<20000x128xf32, #tpu.memory_space<hbm>> -> memref<80x128xf32, #tpu.memory_space<hbm>>
      %dma_wait3A_324 = arith.constant 0 : i32
      %dma_wait3A_325 = tpu.memref_slice %arg7[%mul3A_316, %dma_wait3A_324] : memref<10000x128xf32, #tpu.memory_space<vmem_shared>> -> memref<80x128xf32, #tpu.memory_space<vmem_shared>>
      tpu.wait_dma2 semaphore(%arg15 : memref<!tpu.dma_semaphore, #tpu.memory_space<semaphore_mem>>) src(%dma_wait3A_325 : memref<80x128xf32, #tpu.memory_space<vmem_shared>>) dst(%dma_wait3A_323 : memref<80x128xf32, #tpu.memory_space<hbm>>)
    } else {
    }
    %add3A_285 = arith.constant 80 : i32
    %add3A_286 = arith.addi %arg1, %add3A_285 : i32
    %lt3A_287 = arith.constant 125 : i32
    %lt3A_288 = arith.cmpi slt, %add3A_286, %lt3A_287 : i32
    %convert_element_type3A_289 = arith.extui %lt3A_288 : i1 to i32
    %cond3A_290 = arith.constant 0 : i32
    %cond3A_291 = arith.cmpi ne, %convert_element_type3A_289, %cond3A_290 : i32
    scf.if %cond3A_291 {
      %mul3A_315 = arith.constant 80 : i32
      %mul3A_316 = arith.muli %add3A_286, %mul3A_315 : i32
      %mul3A_317 = arith.constant 10000 : i32
      %mul3A_318 = arith.muli %arg0, %mul3A_317 : i32
      %mul3A_319 = arith.constant 80 : i32
      %mul3A_320 = arith.muli %add3A_286, %mul3A_319 : i32
      %add3A_321 = arith.addi %mul3A_318, %mul3A_320 : i32
      %dma_wait3A_322 = arith.constant 0 : i32
      %dma_wait3A_323 = tpu.memref_slice %arg5[%add3A_321, %dma_wait3A_322] : memref<20000x128xf32, #tpu.memory_space<hbm>> -> memref<80x128xf32, #tpu.memory_space<hbm>>
      %dma_wait3A_324 = arith.constant 0 : i32
      %dma_wait3A_325 = tpu.memref_slice %arg7[%mul3A_316, %dma_wait3A_324] : memref<10000x128xf32, #tpu.memory_space<vmem_shared>> -> memref<80x128xf32, #tpu.memory_space<vmem_shared>>
      tpu.wait_dma2 semaphore(%arg15 : memref<!tpu.dma_semaphore, #tpu.memory_space<semaphore_mem>>) src(%dma_wait3A_325 : memref<80x128xf32, #tpu.memory_space<vmem_shared>>) dst(%dma_wait3A_323 : memref<80x128xf32, #tpu.memory_space<hbm>>)
    } else {
    }
    %add3A_292 = arith.constant 96 : i32
    %add3A_293 = arith.addi %arg1, %add3A_292 : i32
    %lt3A_294 = arith.constant 125 : i32
    %lt3A_295 = arith.cmpi slt, %add3A_293, %lt3A_294 : i32
    %convert_element_type3A_296 = arith.extui %lt3A_295 : i1 to i32
    %cond3A_297 = arith.constant 0 : i32
    %cond3A_298 = arith.cmpi ne, %convert_element_type3A_296, %cond3A_297 : i32
    scf.if %cond3A_298 {
      %mul3A_315 = arith.constant 80 : i32
      %mul3A_316 = arith.muli %add3A_293, %mul3A_315 : i32
      %mul3A_317 = arith.constant 10000 : i32
      %mul3A_318 = arith.muli %arg0, %mul3A_317 : i32
      %mul3A_319 = arith.constant 80 : i32
      %mul3A_320 = arith.muli %add3A_293, %mul3A_319 : i32
      %add3A_321 = arith.addi %mul3A_318, %mul3A_320 : i32
      %dma_wait3A_322 = arith.constant 0 : i32
      %dma_wait3A_323 = tpu.memref_slice %arg5[%add3A_321, %dma_wait3A_322] : memref<20000x128xf32, #tpu.memory_space<hbm>> -> memref<80x128xf32, #tpu.memory_space<hbm>>
      %dma_wait3A_324 = arith.constant 0 : i32
      %dma_wait3A_325 = tpu.memref_slice %arg7[%mul3A_316, %dma_wait3A_324] : memref<10000x128xf32, #tpu.memory_space<vmem_shared>> -> memref<80x128xf32, #tpu.memory_space<vmem_shared>>
      tpu.wait_dma2 semaphore(%arg15 : memref<!tpu.dma_semaphore, #tpu.memory_space<semaphore_mem>>) src(%dma_wait3A_325 : memref<80x128xf32, #tpu.memory_space<vmem_shared>>) dst(%dma_wait3A_323 : memref<80x128xf32, #tpu.memory_space<hbm>>)
    } else {
    }
    %add3A_299 = arith.constant 112 : i32
    %add3A_300 = arith.addi %arg1, %add3A_299 : i32
    %lt3A_301 = arith.constant 125 : i32
    %lt3A_302 = arith.cmpi slt, %add3A_300, %lt3A_301 : i32
    %convert_element_type3A_303 = arith.extui %lt3A_302 : i1 to i32
    %cond3A_304 = arith.constant 0 : i32
    %cond3A_305 = arith.cmpi ne, %convert_element_type3A_303, %cond3A_304 : i32
    scf.if %cond3A_305 {
      %mul3A_315 = arith.constant 80 : i32
      %mul3A_316 = arith.muli %add3A_300, %mul3A_315 : i32
      %mul3A_317 = arith.constant 10000 : i32
      %mul3A_318 = arith.muli %arg0, %mul3A_317 : i32
      %mul3A_319 = arith.constant 80 : i32
      %mul3A_320 = arith.muli %add3A_300, %mul3A_319 : i32
      %add3A_321 = arith.addi %mul3A_318, %mul3A_320 : i32
      %dma_wait3A_322 = arith.constant 0 : i32
      %dma_wait3A_323 = tpu.memref_slice %arg5[%add3A_321, %dma_wait3A_322] : memref<20000x128xf32, #tpu.memory_space<hbm>> -> memref<80x128xf32, #tpu.memory_space<hbm>>
      %dma_wait3A_324 = arith.constant 0 : i32
      %dma_wait3A_325 = tpu.memref_slice %arg7[%mul3A_316, %dma_wait3A_324] : memref<10000x128xf32, #tpu.memory_space<vmem_shared>> -> memref<80x128xf32, #tpu.memory_space<vmem_shared>>
      tpu.wait_dma2 semaphore(%arg15 : memref<!tpu.dma_semaphore, #tpu.memory_space<semaphore_mem>>) src(%dma_wait3A_325 : memref<80x128xf32, #tpu.memory_space<vmem_shared>>) dst(%dma_wait3A_323 : memref<80x128xf32, #tpu.memory_space<hbm>>)
    } else {
    }
    %mul3A_306 = arith.constant 640 : i32
    %mul3A_307 = arith.muli %arg1, %mul3A_306 : i32
    %mul3A_308 = arith.constant 10240 : i32
    %mul3A_309 = arith.muli %arg0, %mul3A_308 : i32
    %mul3A_310 = arith.constant 640 : i32
    %mul3A_311 = arith.muli %arg1, %mul3A_310 : i32
    %add3A_312 = arith.addi %mul3A_309, %mul3A_311 : i32
    %dma_wait3A_313 = tpu.memref_slice %arg6[%add3A_312] : memref<20480xf32, #tpu.memory_space<hbm>> -> memref<640xf32, #tpu.memory_space<hbm>>
    %dma_wait3A_314 = tpu.memref_slice %arg8[%mul3A_307] : memref<10240xf32, #tpu.memory_space<vmem_shared>> -> memref<640xf32, #tpu.memory_space<vmem_shared>>
    tpu.wait_dma2 semaphore(%arg16 : memref<!tpu.dma_semaphore, #tpu.memory_space<semaphore_mem>>) src(%dma_wait3A_314 : memref<640xf32, #tpu.memory_space<vmem_shared>>) dst(%dma_wait3A_313 : memref<640xf32, #tpu.memory_space<hbm>>)
    return
  }
}

module attributes {stable_mosaic.version = 14 : i64} {
  func.func @_tc_body(%arg0: i32, %arg1: memref<2000x128xf32, #tpu.memory_space<vmem>>, %arg2: memref<2000x128xf32, #tpu.memory_space<vmem>>, %arg3: memref<2000x128xf32, #tpu.memory_space<vmem>>, %arg4: memref<2000x1xf32, #tpu.memory_space<vmem>>, %arg5: memref<2000x1xf32, #tpu.memory_space<vmem>>, %arg6: memref<128x128xf32, #tpu.memory_space<vmem>>, %arg7: memref<128x128xf32, #tpu.memory_space<vmem>>, %arg8: memref<1x128xf32, #tpu.memory_space<vmem>>, %arg9: memref<128x128xf32, #tpu.memory_space<vmem>>, %arg10: memref<128x128xf32, #tpu.memory_space<vmem>>, %arg11: memref<1x128xf32, #tpu.memory_space<vmem>>, %arg12: memref<2000x128xf32, #tpu.memory_space<vmem>>) attributes {dimension_semantics = [#tpu.dimension_semantics<arbitrary>], iteration_bounds = array<i64: 5>, scalar_prefetch = 0 : i64, scratch_operands = 0 : i64, tpu.core_type = #tpu.core_type<tc>, window_params = [{transform_indices = @transform_0, window_bounds = array<i64: 2000, 128>}, {transform_indices = @transform_1, window_bounds = array<i64: 2000, 128>}, {transform_indices = @transform_2, window_bounds = array<i64: 2000, 128>}, {transform_indices = @transform_3, window_bounds = array<i64: 2000, 1>}, {transform_indices = @transform_4, window_bounds = array<i64: 2000, 1>}, {pipeline_mode = #tpu.pipeline_mode<synchronous>, transform_indices = @transform_5, window_bounds = array<i64: 128, 128>}, {pipeline_mode = #tpu.pipeline_mode<synchronous>, transform_indices = @transform_6, window_bounds = array<i64: 128, 128>}, {pipeline_mode = #tpu.pipeline_mode<synchronous>, transform_indices = @transform_7, window_bounds = array<i64: 1, 128>}, {pipeline_mode = #tpu.pipeline_mode<synchronous>, transform_indices = @transform_8, window_bounds = array<i64: 128, 128>}, {pipeline_mode = #tpu.pipeline_mode<synchronous>, transform_indices = @transform_9, window_bounds = array<i64: 128, 128>}, {pipeline_mode = #tpu.pipeline_mode<synchronous>, transform_indices = @transform_10, window_bounds = array<i64: 1, 128>}, {transform_indices = @transform_11, window_bounds = array<i64: 2000, 128>}]} {
    %get3A = arith.constant 0 : index
    %get3A_0 = arith.constant 0 : index
    %get3A_1 = vector.load %arg1[%get3A, %get3A_0] : memref<2000x128xf32, #tpu.memory_space<vmem>>, vector<2000x128xf32>
    %get3A_2 = arith.constant 0 : index
    %get3A_3 = arith.constant 0 : index
    %get3A_4 = vector.load %arg2[%get3A_2, %get3A_3] : memref<2000x128xf32, #tpu.memory_space<vmem>>, vector<2000x128xf32>
    %get3A_5 = arith.constant 0 : index
    %get3A_6 = arith.constant 0 : index
    %get3A_7 = vector.load %arg3[%get3A_5, %get3A_6] : memref<2000x128xf32, #tpu.memory_space<vmem>>, vector<2000x128xf32>
    %add3A = arith.addf %get3A_4, %get3A_7 : vector<2000x128xf32>
    %get3A_8 = arith.constant 0 : index
    %get3A_9 = arith.constant 0 : index
    %get3A_10 = vector.load %arg4[%get3A_8, %get3A_9] : memref<2000x1xf32, #tpu.memory_space<vmem>>, vector<2000x1xf32>
    %get3A_11 = arith.constant 0 : index
    %get3A_12 = arith.constant 0 : index
    %get3A_13 = vector.load %arg5[%get3A_11, %get3A_12] : memref<2000x1xf32, #tpu.memory_space<vmem>>, vector<2000x1xf32>
    %add3A_14 = arith.addf %get3A_10, %get3A_13 : vector<2000x1xf32>
    %get3A_15 = arith.constant 0 : index
    %get3A_16 = arith.constant 0 : index
    %get3A_17 = vector.load %arg6[%get3A_15, %get3A_16] : memref<128x128xf32, #tpu.memory_space<vmem>>, vector<128x128xf32>
    %dot_general3A = arith.constant dense<0.000000e+00> : vector<2000x128xf32>
    %dot_general3A_18 = tpu.matmul %add3A, %get3A_17, %dot_general3A {dimension_numbers = #tpu.dot_dimension_numbers<[1], [0], [0], [1], [0, 0, 1, 1], [], []>, transpose_lhs_hint = false} : vector<2000x128xf32>, vector<128x128xf32>, vector<2000x128xf32> -> vector<2000x128xf32>
    %mul3A = vector.broadcast %add3A_14 : vector<2000x1xf32> to vector<2000x128xf32>
    %mul3A_19 = arith.mulf %get3A_1, %mul3A : vector<2000x128xf32>
    %get3A_20 = arith.constant 0 : index
    %get3A_21 = arith.constant 0 : index
    %get3A_22 = vector.load %arg7[%get3A_20, %get3A_21] : memref<128x128xf32, #tpu.memory_space<vmem>>, vector<128x128xf32>
    %dot_general3A_23 = arith.constant dense<0.000000e+00> : vector<2000x128xf32>
    %dot_general3A_24 = tpu.matmul %mul3A_19, %get3A_22, %dot_general3A_23 {dimension_numbers = #tpu.dot_dimension_numbers<[1], [0], [0], [1], [0, 0, 1, 1], [], []>, transpose_lhs_hint = false} : vector<2000x128xf32>, vector<128x128xf32>, vector<2000x128xf32> -> vector<2000x128xf32>
    %add3A_25 = arith.addf %dot_general3A_18, %dot_general3A_24 : vector<2000x128xf32>
    %get3A_26 = arith.constant 0 : index
    %get3A_27 = arith.constant 0 : index
    %get3A_28 = vector.load %arg8[%get3A_26, %get3A_27] : memref<1x128xf32, #tpu.memory_space<vmem>>, vector<1x128xf32>
    %mul3A_29 = vector.broadcast %add3A_14 : vector<2000x1xf32> to vector<2000x128xf32>
    %mul3A_30 = vector.broadcast %get3A_28 : vector<1x128xf32> to vector<2000x128xf32>
    %mul3A_31 = arith.mulf %mul3A_29, %mul3A_30 : vector<2000x128xf32>
    %add3A_32 = arith.addf %add3A_25, %mul3A_31 : vector<2000x128xf32>
    %get3A_33 = arith.constant 0 : index
    %get3A_34 = arith.constant 0 : index
    %get3A_35 = vector.load %arg9[%get3A_33, %get3A_34] : memref<128x128xf32, #tpu.memory_space<vmem>>, vector<128x128xf32>
    %dot_general3A_36 = arith.constant dense<0.000000e+00> : vector<2000x128xf32>
    %dot_general3A_37 = tpu.matmul %get3A_1, %get3A_35, %dot_general3A_36 {dimension_numbers = #tpu.dot_dimension_numbers<[1], [0], [0], [1], [0, 0, 1, 1], [], []>, transpose_lhs_hint = false} : vector<2000x128xf32>, vector<128x128xf32>, vector<2000x128xf32> -> vector<2000x128xf32>
    %get3A_38 = arith.constant 0 : index
    %get3A_39 = arith.constant 0 : index
    %get3A_40 = vector.load %arg10[%get3A_38, %get3A_39] : memref<128x128xf32, #tpu.memory_space<vmem>>, vector<128x128xf32>
    %dot_general3A_41 = arith.constant dense<0.000000e+00> : vector<2000x128xf32>
    %dot_general3A_42 = tpu.matmul %add3A_32, %get3A_40, %dot_general3A_41 {dimension_numbers = #tpu.dot_dimension_numbers<[1], [0], [0], [1], [0, 0, 1, 1], [], []>, transpose_lhs_hint = false} : vector<2000x128xf32>, vector<128x128xf32>, vector<2000x128xf32> -> vector<2000x128xf32>
    %add3A_43 = arith.addf %dot_general3A_37, %dot_general3A_42 : vector<2000x128xf32>
    %get3A_44 = arith.constant 0 : index
    %get3A_45 = arith.constant 0 : index
    %get3A_46 = vector.load %arg11[%get3A_44, %get3A_45] : memref<1x128xf32, #tpu.memory_space<vmem>>, vector<1x128xf32>
    %add3A_47 = vector.broadcast %get3A_46 : vector<1x128xf32> to vector<2000x128xf32>
    %add3A_48 = arith.addf %add3A_43, %add3A_47 : vector<2000x128xf32>
    %swap3A = arith.constant 0 : index
    %swap3A_49 = arith.constant 0 : index
    %swap3A_50 = vector.load %arg12[%swap3A, %swap3A_49] : memref<2000x128xf32, #tpu.memory_space<vmem>>, vector<2000x128xf32>
    tpu.vector_store %arg12[%swap3A, %swap3A_49], %add3A_48 {strides = array<i32>} : memref<2000x128xf32, #tpu.memory_space<vmem>>, vector<2000x128xf32>,
    return
  }
  func.func @transform_0(%arg0: i32) -> (i32, i32) {
    %c0_i32 = arith.constant 0 : i32
    %c0_i32_0 = arith.constant 0 : i32
    return %arg0, %c0_i32 : i32, i32
  }
  func.func @transform_1(%arg0: i32) -> (i32, i32) {
    %c0_i32 = arith.constant 0 : i32
    %c0_i32_0 = arith.constant 0 : i32
    return %arg0, %c0_i32 : i32, i32
  }
  func.func @transform_2(%arg0: i32) -> (i32, i32) {
    %add3A = arith.constant 5 : i32
    %add3A_0 = arith.addi %arg0, %add3A : i32
    %c0_i32 = arith.constant 0 : i32
    %c0_i32_1 = arith.constant 0 : i32
    return %add3A_0, %c0_i32 : i32, i32
  }
  func.func @transform_3(%arg0: i32) -> (i32, i32) {
    %c0_i32 = arith.constant 0 : i32
    %c0_i32_0 = arith.constant 0 : i32
    return %arg0, %c0_i32 : i32, i32
  }
  func.func @transform_4(%arg0: i32) -> (i32, i32) {
    %c0_i32 = arith.constant 0 : i32
    %c0_i32_0 = arith.constant 0 : i32
    return %arg0, %c0_i32 : i32, i32
  }
  func.func @transform_5(%arg0: i32) -> (i32, i32) {
    %c0_i32 = arith.constant 0 : i32
    %c0_i32_0 = arith.constant 0 : i32
    %c0_i32_1 = arith.constant 0 : i32
    return %c0_i32, %c0_i32_0 : i32, i32
  }
  func.func @transform_6(%arg0: i32) -> (i32, i32) {
    %c0_i32 = arith.constant 0 : i32
    %c0_i32_0 = arith.constant 0 : i32
    %c0_i32_1 = arith.constant 0 : i32
    return %c0_i32, %c0_i32_0 : i32, i32
  }
  func.func @transform_7(%arg0: i32) -> (i32, i32) {
    %c0_i32 = arith.constant 0 : i32
    %c0_i32_0 = arith.constant 0 : i32
    %c0_i32_1 = arith.constant 0 : i32
    return %c0_i32, %c0_i32_0 : i32, i32
  }
  func.func @transform_8(%arg0: i32) -> (i32, i32) {
    %c0_i32 = arith.constant 0 : i32
    %c0_i32_0 = arith.constant 0 : i32
    %c0_i32_1 = arith.constant 0 : i32
    return %c0_i32, %c0_i32_0 : i32, i32
  }
  func.func @transform_9(%arg0: i32) -> (i32, i32) {
    %c0_i32 = arith.constant 0 : i32
    %c0_i32_0 = arith.constant 0 : i32
    %c0_i32_1 = arith.constant 0 : i32
    return %c0_i32, %c0_i32_0 : i32, i32
  }
  func.func @transform_10(%arg0: i32) -> (i32, i32) {
    %c0_i32 = arith.constant 0 : i32
    %c0_i32_0 = arith.constant 0 : i32
    %c0_i32_1 = arith.constant 0 : i32
    return %c0_i32, %c0_i32_0 : i32, i32
  }
  func.func @transform_11(%arg0: i32) -> (i32, i32) {
    %c0_i32 = arith.constant 0 : i32
    %c0_i32_0 = arith.constant 0 : i32
    return %arg0, %c0_i32 : i32, i32
  }
}

</mosaic_0001>

<sc_bundles>
// kernel: kernel.4.cloned.1.call-start
scs
__scs_entry_jumppad:
0x0: {  	(pc) =	sbr.rel $0x88, $3  }
0x1: {  	(tag) =	ssettag $0x0;
	lr =	simm.s32 $0x1  }
0x2: {  	[smem:$0x3F9B] =	sst lr;
	_ =	strace $0xD0000000  }
0x3: {  	_ = 	snop  }
0x4: {  	_ = 	snop  }
0x5: {  	_ = 	snop  }
0x6: {  	_ = 	snop  }
0x7: {  	_ = 	snop  }
__scs_overlays_trampoline_lowered:
0x8: {  	[smem:$0x3FAA] =	sst s0  }
0x9: {  	[smem:$0x3FAB] =	sst s1  }
0xa: {  	[smem:$0x3FAC] =	sst s2  }
0xb: {  	[smem:$0x3FAD] =	sst s3  }
0xc: {  	[smem:$0x3FAE] =	sst s4  }
0xd: {  	[smem:$0x3FAF] =	sst s5  }
0xe: {  	[smem:$0x3FB0] =	sst s6  }
0xf: {  	[smem:$0x3FB1] =	sst s7  }
0x10: {  	[smem:$0x3FB2] =	sst s8  }
0x11: {  	[smem:$0x3FB3] =	sst s9;
	s0 =	simm.s32 @!p0 $0x0  }
0x12: {  	s1 =	sld [smem:$0x3F99];
	s0 =	simm.s32 @p0 $0x1  }
0x13: {  	[smem:$0x3FB4] =	sst s0;
	s0 =	simm.s32 @!p1 $0x0  }
0x14: {  	s2 =	sld [smem:$0x3F98];
	s0 =	simm.s32 @p1 $0x1  }
0x15: {  	[smem:$0x3FB5] =	sst s0;
	s0 =	simm.s32 @!p2 $0x0  }
0x16: {  	s3 =	sld [smem:$0x3FDB];
	s0 =	simm.s32 @p2 $0x1  }
0x17: {  	s4 =	simm.s32 $0x1BF5;
	[smem:$0x3FB7] =	sst s0  }
0x18: {  	s0 =	sld [smem:$0x3F9A];
	_ =	swait.ge [sflag:s4], $0x0  }
0x19: {  	s7 =	sld [smem:$0x3F9B]  }
0x1a: {  	s8 =	sadd.s32 $0xFFFFE003, lr  }
0x1b: {  	s9 =	sadd.s32 $0xFFFFFEF7, lr;
	s5 =	simm.s32 $0xFFFFFFFF;
	p2 =	slt.u32 s8, $0xFFFFF086  }
0x1c: {  	p1 =	slt.u32 s9, $0xF7A;
	s5 =	simm.s32 @!p2 $0x0  }
0x1d: {  	s5 =	simm.s32 @p1 $0x1;
	p0 =	seq.s32 s7, s2  }
0x1e: {  	s7 =	smul.u32 @!p0 $0xF7A, s2;
	p2 =	seq.s32 @!p0 s5, $0x0  }
0x1f: {  	s9 =	smul.u32 $0xF7A, s1;
	s8 =	simm.s32 @!p0 $0x1BF5;
	p2 =	por !p2, p0  }
0x20: {  	[sflag:s8] =	ssyncset.s32 @!p0 $0xFFFFF086;
	s6 =	sadd.s32 @!p0 s3, s7;
	s7 =	simm.s32 @!p0 $0x108  }
0x21: {  	s3 =	sadd.s32 s3, s9;
	s6 =	sadd.s32 @!p0 $0x88, s6;
	s7 =	simm.s32 @p2 $0x1082  }
0x22: {  	[simem:s7], [sflag:s8] =	dma.local @!p0 [hbm:s6], $0xF7A  }
0x23: {  	s9 =	sor.u32 $0xD0000000, s2;
	s6 =	simm.s32 $0x108;
	_ =	swait.ge @!p0 [sflag:s8], $0x0  }
0x24: {  	s3 =	sadd.s32 $0x88, s3;
	s6 =	simm.s32 @!p1 $0x1082;
	[sflag:s4] =	ssyncset.s32 $0xFFFFF086  }
0x25: {  	[simem:s6], [sflag:s4] =	dma.local [hbm:s3], $0xF7A  }
0x26: {  	[smem:$0x3F9B] =	sst s1;
	(tag) =	ssettag s2;
	_ =	strace s9  }
0x27: {  	s1 =	sld [smem:$0x3FAB]  }
0x28: {  	s2 =	sld [smem:$0x3FAC]  }
0x29: {  	s4 =	sld [smem:$0x3FAE]  }
0x2a: {  	p0 =	seq.s32 s5, $0x0;
	s5 =	sld [smem:$0x3FAF]  }
0x2b: {  	s6 =	sld [smem:$0x3FB0]  }
0x2c: {  	s7 =	sld [smem:$0x3FB1]  }
0x2d: {  	s3 =	simm.s32 $0x108;
	s8 =	sld [smem:$0x3FB2]  }
0x2e: {  	s3 =	simm.s32 @!p0 $0x1082;
	s9 =	sld [smem:$0x3FB3]  }
0x2f: {  	lr =	sadd.s32 s0, s3;
	s0 =	sld [smem:$0x3FAA]  }
0x30: {  	s3 =	sld [smem:$0x3FAD]  }
0x31: {  	[smem:$0x3FB6] =	sst s10  }
0x32: {  	s10 =	sld [smem:$0x3FB4];
	_ =	sdelay $0x3  }
0x33: {  	p0 =	seq.s32 s10, $0x1;
	s10 =	sld [smem:$0x3FB6];
	_ =	sdelay $0x3  }
0x34: {  	[smem:$0x3FB6] =	sst s10  }
0x35: {  	s10 =	sld [smem:$0x3FB5];
	_ =	sdelay $0x3  }
0x36: {  	p1 =	seq.s32 s10, $0x1;
	s10 =	sld [smem:$0x3FB6];
	_ =	sdelay $0x3  }
0x37: {  	[smem:$0x3FB6] =	sst s10  }
0x38: {  	s10 =	sld [smem:$0x3FB7]  }
0x39: {  	_ = 	snop;
	(pc) =	sbr.ind lr, $3  }
0x3a: {  	_ = 	snop  }
0x3b: {  	_ = 	snop  }
0x3c: {  	p2 =	seq.s32 s10, $0x1;
	s10 =	sld [smem:$0x3FB6]  }
0x3d: {  	_ =	shalt  }
0x3e: {  	_ =	shalt  }
0x3f: {  	_ =	shalt  }
0x40: {  	_ =	shalt  }
0x41: {  	_ =	shalt  }
0x42: {  	_ =	shalt  }
0x43: {  	_ =	shalt  }
0x44: {  	_ =	shalt  }
0x45: {  	_ =	shalt  }
0x46: {  	_ =	shalt  }
0x47: {  	_ =	shalt  }
0x48: {  	_ =	shalt  }
0x49: {  	_ =	shalt  }
0x4a: {  	_ =	shalt  }
0x4b: {  	_ =	shalt  }
0x4c: {  	_ =	shalt  }
0x4d: {  	_ =	shalt  }
0x4e: {  	_ =	shalt  }
0x4f: {  	_ =	shalt  }
0x50: {  	_ =	shalt  }
0x51: {  	_ =	shalt  }
0x52: {  	_ =	shalt  }
0x53: {  	_ =	shalt  }
0x54: {  	_ =	shalt  }
0x55: {  	_ =	shalt  }
0x56: {  	_ =	shalt  }
0x57: {  	_ =	shalt  }
0x58: {  	_ =	shalt  }
0x59: {  	_ =	shalt  }
0x5a: {  	_ =	shalt  }
0x5b: {  	_ =	shalt  }
0x5c: {  	_ =	shalt  }
0x5d: {  	_ =	shalt  }
0x5e: {  	_ =	shalt  }
0x5f: {  	_ =	shalt  }
0x60: {  	_ =	shalt  }
0x61: {  	_ =	shalt  }
0x62: {  	_ =	shalt  }
0x63: {  	_ =	shalt  }
0x64: {  	_ =	shalt  }
0x65: {  	_ =	shalt  }
0x66: {  	_ =	shalt  }
0x67: {  	_ =	shalt  }
0x68: {  	_ =	shalt  }
0x69: {  	_ =	shalt  }
0x6a: {  	_ =	shalt  }
0x6b: {  	_ =	shalt  }
0x6c: {  	_ =	shalt  }
0x6d: {  	_ =	shalt  }
0x6e: {  	_ =	shalt  }
0x6f: {  	_ =	shalt  }
0x70: {  	_ =	shalt  }
0x71: {  	_ =	shalt  }
0x72: {  	_ =	shalt  }
0x73: {  	_ =	shalt  }
0x74: {  	_ =	shalt  }
0x75: {  	_ =	shalt  }
0x76: {  	_ =	shalt  }
0x77: {  	_ =	shalt  }
0x78: {  	_ =	shalt  }
0x79: {  	_ =	shalt  }
0x7a: {  	_ =	shalt  }
0x7b: {  	_ =	shalt  }
0x7c: {  	_ =	shalt  }
0x7d: {  	_ =	shalt  }
0x7e: {  	_ =	shalt  }
0x7f: {  	_ =	shalt  }
0x80: {  	_ =	shalt  }
0x81: {  	_ =	shalt  }
0x82: {  	_ =	shalt  }
0x83: {  	_ =	shalt  }
0x84: {  	_ =	shalt  }
0x85: {  	_ =	shalt  }
0x86: {  	_ =	shalt  }
0x87: {  	_ =	shalt  }
.Lfunc_end0:
.L_simem_size_0:
called_computation_lowered:
.L_overlay_start_0:
0x88: {  	s2 =	sld [smem:$0x3FD9]  }
0x89: {  	s3 =	sld [smem:$0x3FFE];
	_ =	sdelay $0x1  }
0x8a: {  	s1 =	srdreg.scid  }
0x8b: {  	s0 =	sand.u32 $0x1, s1  }
0x8c: {  	s17 =	sshll.u32 s0, $0xA;
	s2 =	sadd.s32 s3, s2  }
0x8d: {  	s2 =	sadd.s32 s2, s17  }
0x8e: {  	[smem:$0x3FC2] =	sst s2  }
0x8f: {  	_ = 	snop  }
0x90: {  	s2 =	sld [smem:$0x3FC9]  }
0x91: {  	s18 =	sld [smem:$0x3FD0];
	(tm) =	ssettm $0x1  }
0x92: {  	s4 =	sld [smem:$0x3FFB];
	_ =	sdelay $0x3  }
0x93: {  	_ =	strace s4  }
0x94: {  	s4 =	sld [smem:$0x3FFC];
	_ =	sdelay $0x3  }
0x95: {  	_ =	strace s4  }
0x96: {  	s4 =	sld [smem:$0x3FFD];
	_ =	sdelay $0x3  }
0x97: {  	_ =	strace s4  }
0x98: {  	_ =	strace $0x8FFFFFFF  }
0x99: {  	s19 =	sld [smem:$0x3FDB];
	_ =	sdelay $0x1  }
0x9a: {  	s5 =	simm.s32 $_scs_section_size  }
0x9b: {  	s6 =	simm.s32 $_size__tile_overlayer_lowered;
	s7 =	simm.s32 $_tile_overlayer_lowered  }
0x9c: {  	s22 =	simm.s32 $0x1BFF;
	s21 =	sshll.u32 s7, $0x1;
	s4 =	sadd.s32 s5, s19  }
0x9d: {  	s8 =	simm.s32 $0x0;
	s20 =	sshll.u32 s6, $0x1;
	s6 =	sadd.s32 s21, s4  }
0x9e: {  	[timem:s8], [sflag:s22] =	dma.local [hbm:s6], s20  }
0x9f: {  	_ =	swait.ge [sflag:s22], s20  }
0xa0: {  	s5 =	ssub.s32 $0x0, s20;
	[sflag:s22] =	ssyncset.done $0x0  }
0xa1: {  	[sflag:s22] =	ssyncadd.s32 s5;
	_ =	sdelay $0x1  }
0xa2: {  	s23 =	simm.s32 $0x1B8B  }
0xa3: {  	_ =	swait.ge [sflag:s23], $0x1  }
0xa4: {  	[sflag:s23] =	ssyncset.done $0x0  }
0xa5: {  	s25 =	simm.s32 $0x1B8E;
	s24 =	sld [smem:$0x3FFE];
	[sflag:s23] =	ssyncadd.s32 $0xFFFFFFFF  }
0xa6: {  	s26 =	simm.s32 $execute0_lowered;
	[smem:$0x3FD2] =	sst s25  }
0xa7: {  	s6 =	sshll.u32 s26, $0x1;
	_ =	strace $0x80000046;
	[dreg:$0x1] =	wrdreg $0xFFFFFFFF  }
0xa8: {  	s28 =	simm.s32 $_size_execute0_lowered;
	s4 =	sadd.s32 s4, s6;
	[dreg:$0x0] =	wrdreg $0x0  }
0xa9: {  	s6 =	sshll.u32 s28, $0x1;
	[dreg:$0x2] =	wrdreg s4  }
0xaa: {  	[dreg:$0x3] =	wrdreg s6  }
0xab: {  	[dreg:$0x4] =	wrdreg $0xC0  }
0xac: {  	_ =	task [dreg:s8], $0x5FFFF  }
0xad: {  	[dreg:$0x1] =	wrdreg $0xFFFFFFFF  }
0xae: {  	[dreg:$0x0] =	wrdreg $0x60  }
0xaf: {  	[dreg:$0x2] =	wrdreg s2  }
0xb0: {  	[dreg:$0x3] =	wrdreg s24  }
0xb1: {  	[dreg:$0x4] =	wrdreg s18  }
0xb2: {  	[dreg:$0x5] =	wrdreg $0x0  }
0xb3: {  	[dreg:$0x6] =	wrdreg $0x138800  }
0xb4: {  	[dreg:$0x7] =	wrdreg $0x9  }
0xb5: {  	_ =	task.clear_ibuf [dreg:s8], $0x8FFFF;
	_ =	strace $0x90000046  }
0xb6: {  	s29 =	simm.s32 $0x9;
	_ =	strace $0x80000048  }
0xb7: {  	_ =	swait.ge [sflag:s29], $0x1  }
0xb8: {  	[sflag:s29] =	ssyncadd.s32 $0xFFFFFFFF  }
0xb9: {  	_ =	strace $0x90000048  }
0xba: {  	_ =	sfence  }
0xbb: {  	s30 =	sld [smem:$0x0];
	_ =	sdelay $0x2  }
0xbc: {  	s31 =	sshll.u32 s1, $0xD;
	s1 =	sshrl.u32 s1, $0x2  }
0xbd: {  	s3 =	sand.u32 $0x4000, s31;
	s1 =	sadd.s32 s1, s30  }
0xbe: {  	s0 =	sor.u32 s3, s0;
	s1 =	sshll.u32 s1, $0x11  }
0xbf: {  	s0 =	sor.u32 s1, s0  }
0xc0: {  	s0 =	sadd.s32 $0x8F2B, s0  }
0xc1: {  	[sflag:s0] =	ssyncadd.remote.s32 $0x1  }
0xc2: {  	_ =	sfence.sel $0xFFFF  }
0xc3: {  	[dreg:$0x0] =	wrdreg $0xFFFFFFFF;
	(pc) =	sbr.abs _section_cstart, $3  }
0xc4: {  	[dreg:$0x1] =	wrdreg $0xFFFFFFFF  }
0xc5: {  	_ =	task.clear_ibuf [dreg:s8], $0x2FFFF;
	_ =	strace $0x9FFFFFFF  }
0xc6: {  	(tm) =	ssettm $0x7FFFFFFF  }
0xc7: {  	_ =	shalt  }
tec
execute0_lowered:
.L_overlay_start_1:
0x0: {  	(tag) =	ssettag $0x1  }
0x1: {  	s1 =	rddreg [dreg:$0x0]  }
0x2: {  	s25 =	stileid.u32;
	s0 =	srdreg.scid  }
0x3: {  	s5 =	rddreg [dreg:$0x1];
	s4 =	sand.u32 $0x1, s0;
	s0 =	smul.u32 $0x280, s25  }
0x4: {  	s7 =	rddreg [dreg:$0x2];
	s2 =	sshrl.u32 s25, $0x2;
	s12 =	smul.u32 $0x50, s25  }
0x5: {  	s3 =	rddreg [dreg:$0x4];
	s6 =	smul.u32 $0x13C00, s2  }
0x6: {  	s28 =	simm.s32 $0x1A280;
	s29 =	simm.s32 $0x1B680;
	s10 =	smul.u32 $0x2800, s4  }
0x7: {  	s30 =	simm.s32 $0x6;
	s26 =	sor.u32 $0x10, s25;
	s11 =	smul.u32 $0x2710, s4  }
0x8: {  	s24 =	sshll.u32 s25, $0x1;
	s13 =	sor.u32 $0x20, s25;
	s14 =	smul.u32 $0x50, s26  }
0x9: {  	s15 =	sor.u32 $0x30, s25;
	s18 =	sor.u32 $0x40, s25;
	s16 =	smul.u32 $0x50, s13  }
0xa: {  	s21 =	sor.u32 $0x60, s25;
	p0 =	sgt.u32 s25, $0xC;
	s19 =	smul.u32 $0x50, s15  }
0xb: {  	s8 =	sor.u32 s4, s24;
	s2 =	rddreg [dreg:$0x3];
	s20 =	smul.u32 $0x50, s18  }
0xc: {  	s4 =	ssub.s32 $0x2, s4;
	s31 =	smul.u32 $0x50, s21;
	s24 =	simm.s32 $0x0  }
0xd: {  	s9 =	sshll.u32 s8, $0x7;
	s17 =	sshrl.u32 s4, $0x1;
	s8 =	sshll.u32 s8, $0xB  }
0xe: {  	[smem:$0x7FF] =	sst s24;
	s9 =	sand.u32 $0x380, s9;
	s10 =	sadd.s32 s0, s10  }
0xf: {  	s4 =	ssub.s32 s4, s17;
	s17 =	sor.u32 $0x50, s25;
	s7 =	sadd.s32 s7, s8  }
0x10: {  	s12 =	sadd.s32 s12, s11;
	s14 =	sadd.s32 s11, s14;
	s16 =	sadd.s32 s11, s16  }
0x11: {  	s19 =	sadd.s32 s11, s19;
	s20 =	sadd.s32 s11, s20;
	s8 =	sadd.s32 s11, s31  }
0x12: {  	s6 =	sor.u32 s6, s9;
	s22 =	smul.u32 $0x50, s17;
	[dreg:$0x6] =	wrdreg s7  }
0x13: {  	s7 =	sor.u32 $0x70, s25;
	s10 =	sshrl.u32 s10, $0x3;
	s9 =	smul.u32 $0xA000, s26  }
0x14: {  	s12 =	sshll.u32 s12, $0x4;
	s26 =	sshll.u32 s14, $0x4;
	s31 =	sshll.u32 s16, $0x4  }
0x15: {  	s19 =	sshll.u32 s19, $0x4;
	s20 =	sshll.u32 s20, $0x4;
	s14 =	smul.u32 $0xA000, s18  }
0x16: {  	s8 =	sshll.u32 s8, $0x4;
	s23 =	smul.u32 $0x50, s7;
	s6 =	sshrl.u32 s6, $0x3  }
0x17: {  	s10 =	sadd.s32 s10, s5;
	s7 =	smul.u32 $0xA000, s7;
	s22 =	sadd.s32 s11, s22  }
0x18: {  	s6 =	sadd.s32 s6, s5;
	s5 =	sadd.s32 $0xBC00, s5;
	s11 =	sadd.s32 s11, s23  }
0x19: {  	s12 =	sadd.s32 s5, s12;
	s16 =	sadd.s32 s5, s31;
	s22 =	sshll.u32 s22, $0x4  }
0x1a: {  	s8 =	sadd.s32 s5, s8;
	s31 =	smul.u32 $0xA000, s13;
	[dreg:$0x7] =	wrdreg s12  }
0x1b: {  	s6 =	sadd.s32 $0x1400, s6;
	s12 =	sadd.s32 s5, s26;
	[dreg:$0x9] =	wrdreg s16  }
0x1c: {  	s23 =	sadd.s32 s5, s22;
	[dreg:$0xd] =	wrdreg s8;
	s26 =	smul.u32 $0xA000, s25  }
0x1d: {  	s24 =	sshll.u32 s11, $0x4;
	s16 =	smul.u32 $0xA000, s17;
	[dreg:$0x8] =	wrdreg s12  }
0x1e: {  	s17 =	smul.u32 $0xA000, s21;
	s12 =	sadd.s32 s5, s19;
	[dreg:$0xc] =	wrdreg s23  }
0x1f: {  	s25 =	simm.s32 $0x7;
	[dreg:$0xa] =	wrdreg s12;
	s12 =	sadd.s32 s5, s20  }
0x20: {  	s5 =	sadd.s32 s5, s24;
	s11 =	sshrl.u32 s26, $0x2;
	s23 =	sshrl.u32 s16, $0x2  }
0x21: {  	s24 =	sshrl.u32 s7, $0x2;
	s26 =	sadd.s32 $0xB200, s10;
	[dreg:$0xb] =	wrdreg s12  }
0x22: {  	s7 =	simm.s32 $0x1;
	s10 =	simm.s32 $0x1F280;
	[dreg:$0xe] =	wrdreg s5  }
0x23: {  	s12 =	smul.u32 $0xA000, s15;
	s13 =	sadd.s32 s11, s2;
	s15 =	sshrl.u32 s9, $0x2  }
0x24: {  	s5 =	sshrl.u32 s31, $0x2;
	s21 =	sadd.s32 s23, s2;
	s23 =	sadd.s32 s24, s2  }
0x25: {  	s24 =	sadd.s32 s0, s3;
	s31 =	smax.u32 s4, $0x1;
	s0 =	simm.s32 $0x1CA80  }
0x26: {  	s4 =	simm.s32 $0xA;
	_ =	strace $0x80000047;
	[dreg:$0xf] =	wrdreg s6  }
0x27: {  	s9 =	simm.s32 $0x50;
	s11 =	simm.s32 $0x1DE80;
	[dreg:$0x10] =	wrdreg s13  }
0x28: {  	s8 =	sadd.s32 s15, s2;
	s18 =	sadd.s32 s5, s2;
	[dreg:$0x11] =	wrdreg s26  }
0x29: {  	s6 =	sshrl.u32 s14, $0x2;
	s5 =	sshrl.u32 s17, $0x2;
	[dreg:$0x12] =	wrdreg s31  }
0x2a: {  	s17 =	simm.s32 $0x16280;
	s13 =	simm.s32 $0x5;
	s14 =	simm.s32 $0x2  }
0x2b: {  	s15 =	simm.s32 $0x4;
	s26 =	simm.s32 $0x0;
	[dreg:$0x13] =	wrdreg s8  }
0x2c: {  	s22 =	sshrl.u32 s12, $0x2;
	s20 =	sadd.s32 s6, s2;
	s8 =	simm.s32 $0x3  }
0x2d: {  	v0 =	vimm.f32 $0.0e+00;
	v1 =	vimm.f32 $1.000000000e+00;
	s19 =	sadd.s32 s22, s2;
	s22 =	sadd.s32 s5, s2;
	s5 =	simm.s32 $0x28  }
.LBB2_1:
0x2e: {  	s6 =	rddreg [dreg:$0xf]  }
0x2f: {  	s12 =	simm.s32 $0x80;
	s16 =	simm.s32 $0x400;
	s31 =	simm.s32 $0x13B00  }
0x30: {  	[tilespmem:s31], [sflag:$0x8] =	stream.strided.gather [hbm4b:s6+s12], $0x2780, s16, s12, $0x38;
	[tilespmem:$0x1F580] =	vst v63  }
0x31: {  	s12 =	rddreg [dreg:$0x6];
	s16 =	simm.s32 $0x0  }
0x32: {  	[tilespmem:s17], [sflag:$0x9] =	stream.linear.gather [hbm4b:s12+s16], $0x3E80, $0x38;
	[tilespmem:$0x1F580] =	vst v63  }
0x33: {  	s31 =	simm.s32 $0x3C0;
	s12 =	simm.s32 $0x70  }
.LBB2_2:
0x34: {  	p1 =	sne.s32 s31, $0x9FC0;
	[tilespmem:s12+$0x1CA80] =	vst v0  }
0x35: {  	[tilespmem:s12+$0x1CA10] =	vst v0  }
0x36: {  	[tilespmem:s12+$0x1CA20] =	vst v0  }
.Ltmp0:
0x37: {  	[tilespmem:s12+$0x1CA30] =	vst v0;
	(pc) =	sbr.rel @p1 .LBB2_2-.Ltmp0, $4  }
0x38: {  	[tilespmem:s12+$0x1CA40] =	vst v0  }
0x39: {  	[tilespmem:s12+$0x1CA50] =	vst v0  }
0x3a: {  	[tilespmem:s12+$0x1CA60] =	vst v0  }
0x3b: {  	[tilespmem:s12+$0x1CA70] =	vst v0;
	s12 =	sshra.s32 s31, $0x2;
	s31 =	sadd.s32 $0x200, s31  }
0x3c: {  	[tilespmem:s12+$0x1CA80] =	vst v0  }
0x3d: {  	[tilespmem:s12+$0x1CA10] =	vst v0  }
0x3e: {  	[tilespmem:s12+$0x1CA20] =	vst v0  }
0x3f: {  	[tilespmem:s12+$0x1CA30] =	vst v0  }
0x40: {  	[tilespmem:s12+$0x1CA40] =	vst v0  }
0x41: {  	[tilespmem:s12+$0x1CA50] =	vst v0  }
0x42: {  	[tilespmem:s12+$0x1CA60] =	vst v0  }
0x43: {  	[tilespmem:s12+$0x1CA70] =	vst v0  }
0x44: {  	[tilespmem:$0x1F300] =	vst v0  }
0x45: {  	[tilespmem:$0x1F310] =	vst v0  }
0x46: {  	[tilespmem:$0x1F320] =	vst v0  }
0x47: {  	[tilespmem:$0x1F330] =	vst v0  }
0x48: {  	[tilespmem:$0x1F340] =	vst v0  }
0x49: {  	[tilespmem:$0x1F350] =	vst v0  }
0x4a: {  	[tilespmem:$0x1F360] =	vst v0  }
0x4b: {  	[tilespmem:$0x1F370] =	vst v0  }
0x4c: {  	[tilespmem:$0x1F380] =	vst v0  }
0x4d: {  	[tilespmem:$0x1F390] =	vst v0  }
0x4e: {  	[tilespmem:$0x1F3A0] =	vst v0  }
0x4f: {  	[tilespmem:$0x1F3B0] =	vst v0  }
0x50: {  	[tilespmem:$0x1F3C0] =	vst v0  }
0x51: {  	[tilespmem:$0x1F3D0] =	vst v0  }
0x52: {  	[tilespmem:$0x1F3E0] =	vst v0  }
0x53: {  	[tilespmem:$0x1F3F0] =	vst v0  }
0x54: {  	[tilespmem:$0x1F400] =	vst v0  }
0x55: {  	[tilespmem:$0x1F410] =	vst v0  }
0x56: {  	[tilespmem:$0x1F420] =	vst v0  }
0x57: {  	[tilespmem:$0x1F430] =	vst v0  }
0x58: {  	[tilespmem:$0x1F440] =	vst v0  }
0x59: {  	[tilespmem:$0x1F450] =	vst v0  }
0x5a: {  	[tilespmem:$0x1F460] =	vst v0  }
0x5b: {  	[tilespmem:$0x1F470] =	vst v0  }
0x5c: {  	[tilespmem:$0x1F480] =	vst v0  }
0x5d: {  	[tilespmem:$0x1F490] =	vst v0  }
0x5e: {  	[tilespmem:$0x1F4A0] =	vst v0  }
0x5f: {  	[tilespmem:$0x1F4B0] =	vst v0  }
0x60: {  	[tilespmem:$0x1F4C0] =	vst v0  }
0x61: {  	[tilespmem:$0x1F4D0] =	vst v0  }
0x62: {  	[tilespmem:$0x1F4E0] =	vst v0  }
0x63: {  	[tilespmem:$0x1F4F0] =	vst v0  }
0x64: {  	[tilespmem:$0x1F500] =	vst v0  }
0x65: {  	[tilespmem:$0x1F510] =	vst v0  }
0x66: {  	[tilespmem:$0x1F520] =	vst v0  }
0x67: {  	[tilespmem:$0x1F530] =	vst v0  }
0x68: {  	[tilespmem:$0x1F540] =	vst v0  }
0x69: {  	[tilespmem:$0x1F550] =	vst v0  }
0x6a: {  	[tilespmem:$0x1F560] =	vst v0  }
0x6b: {  	[tilespmem:$0x1F570] =	vst v0  }
0x6c: {  	[tilespmem:$0x1F280] =	vst v1  }
0x6d: {  	[tilespmem:$0x1F290] =	vst v1  }
0x6e: {  	[tilespmem:$0x1F2A0] =	vst v1  }
0x6f: {  	[tilespmem:$0x1F2B0] =	vst v1  }
0x70: {  	s6 =	simm.s32 $0x8;
	[tilespmem:$0x1F2C0] =	vst v1  }
0x71: {  	_ =	swait.ge [sflag:s6], $0x2780  }
0x72: {  	[sflag:s6] =	ssyncset.done $0x0  }
0x73: {  	s12 =	simm.s32 $0x13B00;
	[sflag:s6] =	ssyncadd.s32 $0xFFFFD880  }
0x74: {  	[tilespmem:s28], [sflag:$0x1] =	stream.indirect.gather [hbm4b:s1+s5], $0x80, s12, s5, $0xb8;
	[tilespmem:$0x1F580] =	vst v63  }
0x75: {  	s16 =	simm.s32 $0x13B28  }
0x76: {  	[tilespmem:s29], [sflag:$0x3] =	stream.indirect.gather [hbm4b:s1+s5], $0x80, s16, s5, $0xb8;
	[tilespmem:$0x1F580] =	vst v63  }
0x77: {  	s17 =	rddreg [dreg:$0x10]  }
0x78: {  	[spmem:s17] =	stream.linear.scatter [tilespmem:s0], [sflag:$0xA], $0x2800, $0x38;
	[tilespmem:$0x1F580] =	vst v63  }
0x79: {  	_ =	swait.ge [sflag:s4], $0x2800  }
0x7a: {  	[sflag:s4] =	ssyncset.done $0x0  }
0x7b: {  	s12 =	rddreg [dreg:$0x13];
	[sflag:s4] =	ssyncadd.s32 $0xFFFFD800  }
0x7c: {  	[spmem:s12] =	stream.linear.scatter [tilespmem:s0], [sflag:$0xA], $0x2800, $0x38;
	[tilespmem:$0x1F580] =	vst v63  }
0x7d: {  	_ =	swait.ge [sflag:s4], $0x2800  }
0x7e: {  	[sflag:s4] =	ssyncset.done $0x0  }
0x7f: {  	[sflag:s4] =	ssyncadd.s32 $0xFFFFD800  }
0x80: {  	[spmem:s18] =	stream.linear.scatter [tilespmem:s0], [sflag:$0xA], $0x2800, $0x38;
	[tilespmem:$0x1F580] =	vst v63  }
0x81: {  	_ =	swait.ge [sflag:s4], $0x2800  }
0x82: {  	[sflag:s4] =	ssyncset.done $0x0  }
0x83: {  	[sflag:s4] =	ssyncadd.s32 $0xFFFFD800  }
0x84: {  	[spmem:s19] =	stream.linear.scatter [tilespmem:s0], [sflag:$0xA], $0x2800, $0x38;
	[tilespmem:$0x1F580] =	vst v63  }
0x85: {  	_ =	swait.ge [sflag:s4], $0x2800  }
0x86: {  	[sflag:s4] =	ssyncset.done $0x0  }
0x87: {  	[sflag:s4] =	ssyncadd.s32 $0xFFFFD800  }
0x88: {  	[spmem:s20] =	stream.linear.scatter [tilespmem:s0], [sflag:$0xA], $0x2800, $0x38;
	[tilespmem:$0x1F580] =	vst v63  }
0x89: {  	_ =	swait.ge [sflag:s4], $0x2800  }
0x8a: {  	[sflag:s4] =	ssyncset.done $0x0  }
0x8b: {  	[sflag:s4] =	ssyncadd.s32 $0xFFFFD800  }
0x8c: {  	[spmem:s21] =	stream.linear.scatter [tilespmem:s0], [sflag:$0xA], $0x2800, $0x38;
	[tilespmem:$0x1F580] =	vst v63  }
0x8d: {  	_ =	swait.ge [sflag:s4], $0x2800  }
0x8e: {  	[sflag:s4] =	ssyncset.done $0x0  }
0x8f: {  	[sflag:s4] =	ssyncadd.s32 $0xFFFFD800  }
0x90: {  	[spmem:s22] =	stream.linear.scatter [tilespmem:s0], [sflag:$0xA], $0x2800, $0x38;
	[tilespmem:$0x1F580] =	vst v63  }
0x91: {  	_ =	swait.ge [sflag:s4], $0x2800  }
0x92: {  	[sflag:s4] =	ssyncset.done $0x0  }
0x93: {  	s6 =	simm.s32 @!p0 $0x1CA80;
	[sflag:s4] =	ssyncadd.s32 $0xFFFFD800  }
0x94: {  	[spmem:s23] =	stream.linear.scatter @!p0 [tilespmem:s6], [sflag:$0xA], $0x2800, $0x38;
	[tilespmem:$0x1F580] =	vst v63  }
0x95: {  	s6 =	simm.s32 @!p0 $0xA  }
0x96: {  	_ =	swait.ge @!p0 [sflag:s6], $0x2800  }
0x97: {  	[sflag:s6] =	ssyncset.done @!p0 $0x0  }
0x98: {  	s16 =	simm.s32 $0x1F300;
	[sflag:s6] =	ssyncadd.s32 @!p0 $0xFFFFD800  }
0x99: {  	[spmem:s24] =	stream.linear.scatter [tilespmem:s16], [sflag:$0xA], $0x280, $0x38;
	[tilespmem:$0x1F580] =	vst v63  }
0x9a: {  	_ =	swait.ge [sflag:s4], $0x280  }
0x9b: {  	[sflag:s4] =	ssyncset.done $0x0  }
0x9c: {  	s17 =	simm.s32 $0x9;
	[sflag:s4] =	ssyncadd.s32 $0xFFFFFD80  }
0x9d: {  	_ =	swait.ge [sflag:s17], $0x3E80  }
0x9e: {  	[sflag:s17] =	ssyncset.done $0x0  }
0x9f: {  	[sflag:s17] =	ssyncadd.s32 $0xFFFFC180  }
0xa0: {  	[bflag:$0x0] =	sbarrier.arrive $0xFFFF  }
0xa1: {  	_ =	swait.ge [sflag:s7], $0x1400  }
0xa2: {  	[sflag:s7] =	ssyncset.done $0x0  }
0xa3: {  	[sflag:s7] =	ssyncadd.s32 $0xFFFFEC00  }
0xa4: {  	_ =	swait.ge [sflag:s8], $0x1400  }
0xa5: {  	[sflag:s8] =	ssyncset.done $0x0  }
0xa6: {  	s12 =	simm.s32 $0x16280;
	[sflag:s8] =	ssyncadd.s32 $0xFFFFEC00  }
0xa7: {  	[spmem:s2] =	stream.indirect.scatter.add.f32 [tilespmem:s28], [sflag:$0x5], $0x80, s12, s9, $0xb8;
	[tilespmem:$0x1F580] =	vst v63  }
0xa8: {  	_ = 	snop  }
0xa9: {  	[spmem:s3] =	stream.indirect.scatter.add.f32 [tilespmem:s10], [sflag:$0x7], $0x1, s12, s9, $0xb8;
	[tilespmem:$0x1F580] =	vst v63  }
0xaa: {  	s16 =	simm.s32 $0x13B50  }
0xab: {  	[tilespmem:s0], [sflag:$0x2] =	stream.indirect.gather [hbm4b:s1+s5], $0x80, s16, s5, $0xb8;
	[tilespmem:$0x1F580] =	vst v63  }
0xac: {  	s12 =	simm.s32 $0x13B78  }
0xad: {  	[tilespmem:s11], [sflag:$0x4] =	stream.indirect.gather [hbm4b:s1+s5], $0x80, s12, s5, $0xb8;
	[tilespmem:$0x1F580] =	vst v63  }
0xae: {  	_ =	swait.ge [sflag:s13], $0x2800  }
0xaf: {  	[sflag:s13] =	ssyncset.done $0x0  }
0xb0: {  	s16 =	simm.s32 $0x13BA0;
	[sflag:s13] =	ssyncadd.s32 $0xFFFFD800  }
0xb1: {  	[tilespmem:s28], [sflag:$0x1] =	stream.indirect.gather [hbm4b:s1+s5], $0x80, s16, s5, $0xb8;
	[tilespmem:$0x1F580] =	vst v63  }
0xb2: {  	s12 =	simm.s32 $0x13BC8  }
0xb3: {  	[tilespmem:s29], [sflag:$0x3] =	stream.indirect.gather [hbm4b:s1+s5], $0x80, s12, s5, $0xb8;
	[tilespmem:$0x1F580] =	vst v63  }
0xb4: {  	_ =	swait.ge [sflag:s14], $0x1400  }
0xb5: {  	[sflag:s14] =	ssyncset.done $0x0  }
0xb6: {  	[sflag:s14] =	ssyncadd.s32 $0xFFFFEC00  }
0xb7: {  	_ =	swait.ge [sflag:s15], $0x1400  }
0xb8: {  	[sflag:s15] =	ssyncset.done $0x0  }
0xb9: {  	s16 =	simm.s32 $0x16300;
	[sflag:s15] =	ssyncadd.s32 $0xFFFFEC00  }
0xba: {  	[spmem:s2] =	stream.indirect.scatter.add.f32 [tilespmem:s0], [sflag:$0x6], $0x80, s16, s9, $0xb8;
	[tilespmem:$0x1F580] =	vst v63  }
0xbb: {  	_ = 	snop  }
0xbc: {  	[spmem:s3] =	stream.indirect.scatter.add.f32 [tilespmem:s10], [sflag:$0x7], $0x1, s16, s9, $0xb8;
	[tilespmem:$0x1F580] =	vst v63  }
0xbd: {  	_ =	swait.ge [sflag:s30], $0x2800  }
0xbe: {  	[sflag:s30] =	ssyncset.done $0x0  }
0xbf: {  	s12 =	simm.s32 $0x13BF0;
	[sflag:s30] =	ssyncadd.s32 $0xFFFFD800  }
0xc0: {  	[tilespmem:s0], [sflag:$0x2] =	stream.indirect.gather [hbm4b:s1+s5], $0x80, s12, s5, $0xb8;
	[tilespmem:$0x1F580] =	vst v63  }
0xc1: {  	s16 =	simm.s32 $0x13C18  }
0xc2: {  	[tilespmem:s11], [sflag:$0x4] =	stream.indirect.gather [hbm4b:s1+s5], $0x80, s16, s5, $0xb8;
	[tilespmem:$0x1F580] =	vst v63  }
0xc3: {  	_ =	swait.ge [sflag:s7], $0x1400  }
0xc4: {  	[sflag:s7] =	ssyncset.done $0x0  }
0xc5: {  	[sflag:s7] =	ssyncadd.s32 $0xFFFFEC00  }
0xc6: {  	_ =	swait.ge [sflag:s8], $0x1400  }
0xc7: {  	s31 =	simm.s32 $0x280;
	s6 =	simm.s32 $0x16380;
	[sflag:s8] =	ssyncset.done $0x0  }
0xc8: {  	s17 =	simm.s32 $0x16280;
	s12 =	simm.s32 $0x16400;
	[sflag:s8] =	ssyncadd.s32 $0xFFFFEC00  }
0xc9: {  	[spmem:s2] =	stream.indirect.scatter.add.f32 [tilespmem:s28], [sflag:$0x5], $0x80, s6, s9, $0xb8;
	[tilespmem:$0x1F580] =	vst v63  }
.LBB2_4:
0xca: {  	[spmem:s3] =	stream.indirect.scatter.add.f32 [tilespmem:s10], [sflag:$0x7], $0x1, s6, s9, $0xb8;
	[tilespmem:$0x1F580] =	vst v63  }
0xcb: {  	s6 =	smov.u32 s31  }
0xcc: {  	p1 =	sne.s32 s31, $0x9600;
	s31 =	sadd.s32 $0x280, s31;
	_ =	swait.ge [sflag:s13], $0x2800  }
0xcd: {  	s6 =	sshra.s32 s6, $0x2;
	[sflag:s13] =	ssyncset.done $0x0  }
0xce: {  	s16 =	sadd.s32 $0x13BA0, s6;
	[sflag:s13] =	ssyncadd.s32 $0xFFFFD800  }
0xcf: {  	[tilespmem:s28], [sflag:$0x1] =	stream.indirect.gather [hbm4b:s1+s5], $0x80, s16, s5, $0xb8;
	[tilespmem:$0x1F580] =	vst v63  }
0xd0: {  	s16 =	sadd.s32 $0x13BC8, s6  }
0xd1: {  	[tilespmem:s29], [sflag:$0x3] =	stream.indirect.gather [hbm4b:s1+s5], $0x80, s16, s5, $0xb8;
	[tilespmem:$0x1F580] =	vst v63  }
0xd2: {  	_ =	swait.ge [sflag:s14], $0x1400  }
0xd3: {  	[sflag:s14] =	ssyncset.done $0x0  }
0xd4: {  	[sflag:s14] =	ssyncadd.s32 $0xFFFFEC00  }
0xd5: {  	_ =	swait.ge [sflag:s15], $0x1400  }
0xd6: {  	[sflag:s15] =	ssyncset.done $0x0  }
0xd7: {  	[sflag:s15] =	ssyncadd.s32 $0xFFFFEC00  }
0xd8: {  	[spmem:s2] =	stream.indirect.scatter.add.f32 [tilespmem:s0], [sflag:$0x6], $0x80, s12, s9, $0xb8;
	[tilespmem:$0x1F580] =	vst v63  }
0xd9: {  	_ = 	snop  }
0xda: {  	[spmem:s3] =	stream.indirect.scatter.add.f32 [tilespmem:s10], [sflag:$0x7], $0x1, s12, s9, $0xb8;
	[tilespmem:$0x1F580] =	vst v63  }
0xdb: {  	_ =	swait.ge [sflag:s30], $0x2800  }
0xdc: {  	[sflag:s30] =	ssyncset.done $0x0  }
0xdd: {  	s16 =	sadd.s32 $0x13BF0, s6;
	[sflag:s30] =	ssyncadd.s32 $0xFFFFD800  }
0xde: {  	[tilespmem:s0], [sflag:$0x2] =	stream.indirect.gather [hbm4b:s1+s5], $0x80, s16, s5, $0xb8;
	[tilespmem:$0x1F580] =	vst v63  }
0xdf: {  	s6 =	sadd.s32 $0x13C18, s6  }
0xe0: {  	[tilespmem:s11], [sflag:$0x4] =	stream.indirect.gather [hbm4b:s1+s5], $0x80, s6, s5, $0xb8;
	[tilespmem:$0x1F580] =	vst v63  }
0xe1: {  	_ =	swait.ge [sflag:s7], $0x1400  }
0xe2: {  	[sflag:s7] =	ssyncset.done $0x0  }
0xe3: {  	[sflag:s7] =	ssyncadd.s32 $0xFFFFEC00  }
.Ltmp1:
0xe4: {  	_ =	swait.ge [sflag:s8], $0x1400;
	(pc) =	sbr.rel @p1 .LBB2_4-.Ltmp1, $4  }
0xe5: {  	[sflag:s8] =	ssyncset.done $0x0  }
0xe6: {  	s6 =	sadd.s32 $0x80, s12;
	[sflag:s8] =	ssyncadd.s32 $0xFFFFEC00  }
0xe7: {  	[spmem:s2] =	stream.indirect.scatter.add.f32 [tilespmem:s28], [sflag:$0x5], $0x80, s6, s9, $0xb8;
	[tilespmem:$0x1F580] =	vst v63  }
0xe8: {  	s12 =	sadd.s32 $0x100, s12  }
0xe9: {  	[spmem:s3] =	stream.indirect.scatter.add.f32 [tilespmem:s10], [sflag:$0x7], $0x1, s6, s9, $0xb8;
	[tilespmem:$0x1F580] =	vst v63  }
0xea: {  	_ =	swait.ge [sflag:s13], $0x2800  }
0xeb: {  	[sflag:s13] =	ssyncset.done $0x0  }
0xec: {  	s31 =	simm.s32 $0x161C0;
	[sflag:s13] =	ssyncadd.s32 $0xFFFFD800  }
0xed: {  	[tilespmem:s28], [sflag:$0x1] =	stream.indirect.gather [hbm4b:s1+s5], $0x80, s31, s5, $0xb8;
	[tilespmem:$0x1F580] =	vst v63  }
0xee: {  	s12 =	simm.s32 $0x161E8  }
0xef: {  	[tilespmem:s29], [sflag:$0x3] =	stream.indirect.gather [hbm4b:s1+s5], $0x80, s12, s5, $0xb8;
	[tilespmem:$0x1F580] =	vst v63  }
0xf0: {  	_ =	swait.ge [sflag:s14], $0x1400  }
0xf1: {  	[sflag:s14] =	ssyncset.done $0x0  }
0xf2: {  	[sflag:s14] =	ssyncadd.s32 $0xFFFFEC00  }
0xf3: {  	_ =	swait.ge [sflag:s15], $0x1400  }
0xf4: {  	[sflag:s15] =	ssyncset.done $0x0  }
0xf5: {  	s16 =	simm.s32 $0x1A000;
	[sflag:s15] =	ssyncadd.s32 $0xFFFFEC00  }
0xf6: {  	[spmem:s2] =	stream.indirect.scatter.add.f32 [tilespmem:s0], [sflag:$0x6], $0x80, s16, s9, $0xb8;
	[tilespmem:$0x1F580] =	vst v63  }
0xf7: {  	_ = 	snop  }
0xf8: {  	[spmem:s3] =	stream.indirect.scatter.add.f32 [tilespmem:s10], [sflag:$0x7], $0x1, s16, s9, $0xb8;
	[tilespmem:$0x1F580] =	vst v63  }
0xf9: {  	_ =	swait.ge [sflag:s30], $0x2800  }
0xfa: {  	[sflag:s30] =	ssyncset.done $0x0  }
0xfb: {  	[sflag:s30] =	ssyncadd.s32 $0xFFFFD800  }
0xfc: {  	_ =	swait.ge [sflag:s7], $0x1400  }
0xfd: {  	[sflag:s7] =	ssyncset.done $0x0  }
0xfe: {  	[sflag:s7] =	ssyncadd.s32 $0xFFFFEC00  }
0xff: {  	_ =	swait.ge [sflag:s8], $0x1400  }
0x100: {  	[sflag:s8] =	ssyncset.done $0x0  }
0x101: {  	s31 =	simm.s32 $0x1A080;
	[sflag:s8] =	ssyncadd.s32 $0xFFFFEC00  }
0x102: {  	[spmem:s2] =	stream.indirect.scatter.add.f32 [tilespmem:s28], [sflag:$0x5], $0x80, s31, s9, $0xb8;
	[tilespmem:$0x1F580] =	vst v63  }
0x103: {  	_ = 	snop  }
0x104: {  	[spmem:s3] =	stream.indirect.scatter.add.f32 [tilespmem:s10], [sflag:$0x7], $0x1, s31, s9, $0xb8;
	[tilespmem:$0x1F580] =	vst v63  }
0x105: {  	_ =	swait.ge [sflag:s13], $0x2800  }
0x106: {  	[sflag:s13] =	ssyncset.done $0x0  }
0x107: {  	[sflag:s13] =	ssyncadd.s32 $0xFFFFD800  }
0x108: {  	_ =	swait.ge [sflag:s25], $0x50  }
0x109: {  	s12 =	simm.s32 $0x7C;
	[sflag:s25] =	ssyncset.done $0x0  }
.LBB2_6:
0x10a: {  	p1 =	sne.s32 s12, $0x1;
	s12 =	sadd.s32 $0xFFFFFFFF, s12;
	[sflag:s25] =	ssyncadd.s32 $0xFFFFFFB0  }
.Ltmp2:
0x10b: {  	(pc) =	sbr.rel @p1 .LBB2_6-.Ltmp2, $3  }
0x10c: {  	_ =	sdelay $0x1  }
0x10d: {  	_ =	swait.ge [sflag:s25], $0x50  }
0x10e: {  	[sflag:s25] =	ssyncset.done $0x0  }
0x10f: {  	[sflag:s25] =	ssyncadd.s32 $0xFFFFFFB0  }
0x110: {  	s6 =	stileid.u32;
	[bflag:$0x0] =	sbarrier.arrive $0xFFFF  }
0x111: {  	s6 =	sshll.u32 s6, $0x6;
	s16 =	rddreg [dreg:$0x10]  }
0x112: {  	s12 =	sor.u32 $0x1C01, s6;
	s31 =	rddreg [dreg:$0x7];
	s16 =	sshrl.u32 s16, $0x3  }
0x113: {  	[hbm:s31], [sflag:s12] =	dma.local [spmem:s16], $0x500  }
0x114: {  	s16 =	rddreg [dreg:$0x13]  }
0x115: {  	s31 =	rddreg [dreg:$0x8];
	s16 =	sshrl.u32 s16, $0x3  }
0x116: {  	[hbm:s31], [sflag:s12] =	dma.local [spmem:s16], $0x500  }
0x117: {  	s16 =	sshrl.u32 s18, $0x3;
	s31 =	rddreg [dreg:$0x9]  }
0x118: {  	[hbm:s31], [sflag:s12] =	dma.local [spmem:s16], $0x500  }
0x119: {  	s16 =	sshrl.u32 s19, $0x3;
	s31 =	rddreg [dreg:$0xa]  }
0x11a: {  	[hbm:s31], [sflag:s12] =	dma.local [spmem:s16], $0x500  }
0x11b: {  	s16 =	sshrl.u32 s20, $0x3;
	s31 =	rddreg [dreg:$0xb]  }
0x11c: {  	[hbm:s31], [sflag:s12] =	dma.local [spmem:s16], $0x500  }
0x11d: {  	s16 =	sshrl.u32 s21, $0x3;
	s31 =	rddreg [dreg:$0xc]  }
0x11e: {  	[hbm:s31], [sflag:s12] =	dma.local [spmem:s16], $0x500  }
0x11f: {  	s16 =	sshrl.u32 s22, $0x3;
	s31 =	rddreg [dreg:$0xd]  }
0x120: {  	[hbm:s31], [sflag:s12] =	dma.local [spmem:s16], $0x500  }
0x121: {  	s16 =	sshrl.u32 @!p0 s23, $0x3;
	s31 =	rddreg [dreg:$0xe]  }
0x122: {  	[hbm:s31], [sflag:s12] =	dma.local @!p0 [spmem:s16], $0x500  }
0x123: {  	s6 =	sor.u32 $0x1C02, s6;
	s31 =	sshrl.u32 s24, $0x3;
	s16 =	rddreg [dreg:$0x11]  }
0x124: {  	[hbm:s16], [sflag:s6] =	dma.local [spmem:s31], $0x50  }
0x125: {  	_ =	swait.ge [sflag:s7], $0x500  }
0x126: {  	[sflag:s7] =	ssyncset.done $0x0  }
0x127: {  	[sflag:s7] =	ssyncadd.s32 $0xFFFFFB00  }
0x128: {  	_ =	swait.ge [sflag:s7], $0x500  }
0x129: {  	[sflag:s7] =	ssyncset.done $0x0  }
0x12a: {  	[sflag:s7] =	ssyncadd.s32 $0xFFFFFB00  }
0x12b: {  	_ =	swait.ge [sflag:s7], $0x500  }
0x12c: {  	[sflag:s7] =	ssyncset.done $0x0  }
0x12d: {  	[sflag:s7] =	ssyncadd.s32 $0xFFFFFB00  }
0x12e: {  	_ =	swait.ge [sflag:s7], $0x500  }
0x12f: {  	[sflag:s7] =	ssyncset.done $0x0  }
0x130: {  	[sflag:s7] =	ssyncadd.s32 $0xFFFFFB00  }
0x131: {  	_ =	swait.ge [sflag:s7], $0x500  }
0x132: {  	[sflag:s7] =	ssyncset.done $0x0  }
0x133: {  	[sflag:s7] =	ssyncadd.s32 $0xFFFFFB00  }
0x134: {  	_ =	swait.ge [sflag:s7], $0x500  }
0x135: {  	[sflag:s7] =	ssyncset.done $0x0  }
0x136: {  	[sflag:s7] =	ssyncadd.s32 $0xFFFFFB00  }
0x137: {  	_ =	swait.ge [sflag:s7], $0x500  }
0x138: {  	[sflag:s7] =	ssyncset.done $0x0  }
0x139: {  	s6 =	simm.s32 @!p0 $0x1;
	[sflag:s7] =	ssyncadd.s32 $0xFFFFFB00  }
0x13a: {  	_ =	swait.ge @!p0 [sflag:s6], $0x500  }
0x13b: {  	[sflag:s6] =	ssyncset.done @!p0 $0x0  }
0x13c: {  	[sflag:s6] =	ssyncadd.s32 @!p0 $0xFFFFFB00  }
0x13d: {  	_ =	swait.ge [sflag:s14], $0x50  }
0x13e: {  	s26 =	sadd.s32 $0x1, s26;
	s31 =	rddreg [dreg:$0x12]  }
0x13f: {  	p1 =	sne.s32 s26, s31  }
.Ltmp3:
0x140: {  	_ = 	snop;
	(pc) =	sbr.rel @p1 .LBB2_1-.Ltmp3, $3  }
0x141: {  	_ =	sdelay $0x1  }
0x142: {  	[sflag:s14] =	ssyncset.done $0x0  }
0x143: {  	[sflag:s14] =	ssyncadd.s32 $0xFFFFFFB0  }
0x144: {  	_ =	sfence.sel $0x180000  }
0x145: {  	[bflag:$0x0] =	sbarrier.arrive $0xFFFF  }
0x146: {  	_ =	strace $0x90000047  }
0x147: {  	s0 =	stileid.u32;
	[bflag:$0x2] =	sbarrier.arrive $0xFFFF  }
0x148: {  	p0 =	sne.s32 s0, $0x0;
	s0 =	rddreg [dreg:$0x5]  }
0x149: {  	s0 =	sadd.s32 @!p0 $0x100000, s0  }
0x14a: {  	[sflag:s0] =	ssyncadd.tile.s32 @!p0 $0x1;
	_ =	shalt  }
.Lfunc_end2:
_tile_overlayer_lowered:
.L_overlay_start_2:
0x14b: {  	(tag) =	ssettag $0x2  }
0x14c: {  	s0 =	rddreg [dreg:$0x0];
	s2 =	stileid.u32  }
0x14d: {  	s1 =	rddreg [dreg:$0x1];
	p0 =	sne.s32 s2, $0x0  }
0x14e: {  	s3 =	rddreg [dreg:$0x2];
	[bflag:$0x3] =	sbarrier.arrive $0xFFFF;
	s2 =	simm.s32 @!p0 $0x1C0A  }
0x14f: {  	[timem:s3], [sflag:s2] =	dma.local @!p0 [hbm:s0], s1  }
0x150: {  	s0 =	simm.s32 @!p0 $0xA  }
0x151: {  	_ =	swait.ge @!p0 [sflag:s0], s1  }
0x152: {  	s1 =	ssub.s32 @!p0 $0x0, s1;
	[sflag:s0] =	ssyncset.done @!p0 $0x0  }
0x153: {  	[sflag:s0] =	ssyncadd.s32 @!p0 s1  }
0x154: {  	[bflag:$0x3] =	sbarrier.arrive $0xFFFF  }
0x155: {  	_ =	shalt  }

</sc_bundles>
